<compile_context>
chip_gen: v7x
topology: tpu7x:2x2x1
jax: 0.10.2.dev20260603
libtpu: 0.0.44.dev20260713+nightly
codegen_flags: <defaults>
</compile_context>

<pallas_src>
import functools

import jax
import jax.numpy as jnp
from jax import lax
from jax.experimental import pallas as pl
from jax.experimental.pallas import tpu as pltpu
from jax.experimental.pallas import tpu_sc as plsc

N = 10000
E = 320000
D = 128

NC = 2
NS = 16
CHUNK = 128
NW = NC * NS
NCH = 78
TAILBASE = NW * NCH * CHUNK
NTAIL = (E - TAILBASE) // CHUNK
NROWS = N
ROWS_MAIN = 624
TAIL = 16


def _sc_aggregate_body(sd_hbm, h_hbm, out_hbm,
                       sd_v0, sd_v1, sd_v2, rows_v0, rows_v1, rows_v2,
                       agg_sh, sem0, sem1, sem2, ssem0, ssem1, ssem2):
    c = lax.axis_index("c")
    s = lax.axis_index("s")
    wid = c * NS + s
    sd_v = (sd_v0, sd_v1, sd_v2)
    rows_v = (rows_v0, rows_v1, rows_v2)
    sems = (sem0, sem1, sem2)
    ssems = (ssem0, ssem1, ssem2)

    zvec = jnp.zeros((16,), jnp.float32)

    @pl.loop(0, CHUNK)
    def _zero_fill(i):
        for j in range(D // 16):
            rows_v2[i, pl.ds(j * 16, 16)] = zvec

    base = wid * NCH

    def _load_idx(j, b):
        pltpu.sync_copy(sd_hbm.at[j], sd_v[b])

    def _gather_start(b):
        pltpu.async_copy(h_hbm.at[sd_v[b].at[0]], rows_v[b], sems[b])

    def _gather_wait(b):
        pltpu.make_async_copy(h_hbm.at[sd_v[b].at[0]], rows_v[b],
                              sems[b]).wait()

    def _scatter_start(b):
        pltpu.async_copy(rows_v[b], agg_sh.at[sd_v[b].at[1]], ssems[b],
                         add=True)

    def _scatter_wait(b):
        pltpu.make_async_copy(rows_v[b], agg_sh.at[sd_v[b].at[1]],
                              ssems[b]).wait()

    def _step(j, b, first=False, prefetch=True):
        bp = (b + 2) % 3
        _gather_wait(b)
        _scatter_start(b)
        if not first:
            _scatter_wait(bp)
        if prefetch:
            _load_idx(base + j + 2, bp)
            _gather_start(bp)

    _load_idx(base, 0)
    _gather_start(0)
    _load_idx(base + 1, 1)
    _gather_start(1)

    for j in range(4):
        pltpu.sync_copy(rows_v2, agg_sh.at[pl.ds(s * ROWS_MAIN + j * CHUNK, CHUNK)])
    pltpu.sync_copy(rows_v2.at[pl.ds(0, ROWS_MAIN - 4 * CHUNK)],
                    agg_sh.at[pl.ds(s * ROWS_MAIN + 4 * CHUNK,
                                    ROWS_MAIN - 4 * CHUNK)])

    @pl.when(s == NS - 1)
    def _zero_tail():
        pltpu.sync_copy(rows_v2.at[pl.ds(0, TAIL)],
                        agg_sh.at[pl.ds(NS * ROWS_MAIN, TAIL)])

    plsc.subcore_barrier()

    _step(0, 0, first=True)
    _step(1, 1)

    @pl.loop(2, 74, step=3)
    def _edges(i):
        for b3 in range(3):
            _step(i + b3, (2 + b3) % 3)

    _step(74, 74 % 3)
    _step(75, 75 % 3)
    _step(76, 76 % 3, prefetch=False)
    _step(77, 77 % 3, prefetch=False)
    _scatter_wait(77 % 3)

    @pl.when(wid < NTAIL)
    def _tail():
        off = TAILBASE // CHUNK + wid
        _load_idx(off, 0)
        _gather_start(0)
        _gather_wait(0)
        pltpu.sync_copy(rows_v[0], agg_sh.at[sd_v[0].at[1]], add=True)

    plsc.subcore_barrier()

    pltpu.sync_copy(agg_sh.at[pl.ds(s * ROWS_MAIN, ROWS_MAIN)],
                    out_hbm.at[c, pl.ds(s * ROWS_MAIN, ROWS_MAIN)])

    @pl.when(s == NS - 1)
    def _flush_tail():
        pltpu.sync_copy(agg_sh.at[pl.ds(NS * ROWS_MAIN, TAIL)],
                        out_hbm.at[c, pl.ds(NS * ROWS_MAIN, TAIL)])


@jax.jit
def _sc_aggregate(sd, h):
    mesh = plsc.VectorSubcoreMesh(core_axis_name="c", subcore_axis_name="s")
    return pl.kernel(
        _sc_aggregate_body,
        out_type=jax.ShapeDtypeStruct((NC, N, D), jnp.float32),
        mesh=mesh,
        scratch_types=[
            pltpu.VMEM((2, CHUNK), jnp.int32),
            pltpu.VMEM((2, CHUNK), jnp.int32),
            pltpu.VMEM((2, CHUNK), jnp.int32),
            pltpu.VMEM((CHUNK, D), jnp.float32),
            pltpu.VMEM((CHUNK, D), jnp.float32),
            pltpu.VMEM((CHUNK, D), jnp.float32),
            pltpu.VMEM_SHARED((NROWS, D), jnp.float32),
            pltpu.SemaphoreType.DMA,
            pltpu.SemaphoreType.DMA,
            pltpu.SemaphoreType.DMA,
            pltpu.SemaphoreType.DMA,
            pltpu.SemaphoreType.DMA,
            pltpu.SemaphoreType.DMA,
        ],
    )(sd, h)


BN = 1000


def _mlp_body(h_ref, a_ref, w1_ref, b1_ref, w2_ref, b2_ref, out_ref):
    t = h_ref[...] + a_ref[0] + a_ref[1]
    t = jnp.maximum(jnp.dot(t, w1_ref[...], preferred_element_type=jnp.float32)
                    + b1_ref[...], 0.0)
    t = jnp.dot(t, w2_ref[...], preferred_element_type=jnp.float32) + b2_ref[...]
    out_ref[...] = jnp.maximum(t, 0.0)


def _mlp_final_body(h_ref, a_ref, w1_ref, b1_ref, w2_ref, b2_ref,
                    wl_ref, bl_ref, out_ref):
    t = h_ref[...] + a_ref[0] + a_ref[1]
    t = jnp.maximum(jnp.dot(t, w1_ref[...], preferred_element_type=jnp.float32)
                    + b1_ref[...], 0.0)
    t = jnp.dot(t, w2_ref[...], preferred_element_type=jnp.float32) + b2_ref[...]
    t = jnp.maximum(t, 0.0)
    out_ref[...] = jnp.dot(t, wl_ref[...], preferred_element_type=jnp.float32) + bl_ref[...]


_row_spec = pl.BlockSpec((BN, D), lambda i: (i, 0))
_agg_spec = pl.BlockSpec((NC, BN, D), lambda i: (0, i, 0))
_w_spec = pl.BlockSpec((D, D), lambda i: (0, 0))
_b_spec = pl.BlockSpec((1, D), lambda i: (0, 0))


@jax.jit
def _mlp(h, agg, w1, b1, w2, b2):
    return pl.pallas_call(
        _mlp_body,
        grid=(N // BN,),
        in_specs=[_row_spec, _agg_spec, _w_spec, _b_spec, _w_spec, _b_spec],
        out_specs=_row_spec,
        out_shape=jax.ShapeDtypeStruct((N, D), jnp.float32),
    )(h, agg, w1, b1.reshape(1, D), w2, b2.reshape(1, D))


@jax.jit
def _mlp_final(h, agg, w1, b1, w2, b2, wl, bl):
    return pl.pallas_call(
        _mlp_final_body,
        grid=(N // BN,),
        in_specs=[_row_spec, _agg_spec, _w_spec, _b_spec, _w_spec, _b_spec,
                  _w_spec, _b_spec],
        out_specs=_row_spec,
        out_shape=jax.ShapeDtypeStruct((N, D), jnp.float32),
    )(h, agg, w1, b1.reshape(1, D), w2, b2.reshape(1, D),
      wl, bl.reshape(1, D))


def kernel(x, edge_index, W1_0, b1_0, W2_0, b2_0, W1_1, b1_1, W2_1, b2_1,
           W1_2, b1_2, W2_2, b2_2, Wlin, blin):
    sd = jnp.stack([edge_index[0].reshape(E // CHUNK, CHUNK),
                    edge_index[1].reshape(E // CHUNK, CHUNK)], axis=1)
    agg0 = _sc_aggregate(sd, x)
    h1 = _mlp(x, agg0, W1_0, b1_0, W2_0, b2_0)
    agg1 = _sc_aggregate(sd, h1)
    h2 = _mlp(h1, agg1, W1_1, b1_1, W2_1, b2_1)
    agg2 = _sc_aggregate(sd, h2)
    return _mlp_final(h2, agg2, W1_2, b1_2, W2_2, b2_2, Wlin, blin)

# --- scband reference (transcript-rebuilt; emitter-appended) ---
"""Pipeline reference for scband-gin-1005022347909 (READ-ONLY COPY).

The authoritative reference and input builder live on the scoring server;
editing this copy changes nothing except your own understanding.
"""

import jax, jax.numpy as jnp
import numpy as np

N = 10000
E = 320000
D = 128
H = 128
O = 128
L = 3


def setup_inputs(seed: int = 0) -> dict:
    key = jax.random.key(seed)
    ks = jax.random.split(key, 2 + 4 * L + 2)
    inp = {}
    inp["x"] = jax.random.normal(ks[0], (N, D), dtype=jnp.float32)
    inp["edge_index"] = jax.random.randint(ks[1], (2, E), 0, N, dtype=jnp.int32)
    dims_in = [D] + [H] * (L - 1)
    ki = 2
    for l in range(L):
        din = dims_in[l]
        s1 = 1.0 / np.sqrt(din)
        s2 = 1.0 / np.sqrt(H)
        inp[f"W1_{l}"] = jax.random.uniform(ks[ki], (din, H), dtype=jnp.float32, minval=-s1, maxval=s1); ki += 1
        inp[f"b1_{l}"] = jax.random.uniform(ks[ki], (H,), dtype=jnp.float32, minval=-s1, maxval=s1); ki += 1
        inp[f"W2_{l}"] = jax.random.uniform(ks[ki], (H, H), dtype=jnp.float32, minval=-s2, maxval=s2); ki += 1
        inp[f"b2_{l}"] = jax.random.uniform(ks[ki], (H,), dtype=jnp.float32, minval=-s2, maxval=s2); ki += 1
    slin = 1.0 / np.sqrt(H)
    inp["Wlin"] = jax.random.uniform(ks[ki], (H, O), dtype=jnp.float32, minval=-slin, maxval=slin); ki += 1
    inp["blin"] = jax.random.uniform(ks[ki], (O,), dtype=jnp.float32, minval=-slin, maxval=slin)
    return inp


def _gin_conv(x, src, dst, W1, b1, W2, b2):
    # GINConv: out = MLP((1 + eps) * x + sum_{j in N(i)} x_j), eps = 0
    msgs = jnp.take(x, src, axis=0)
    agg = jax.ops.segment_sum(msgs, dst, num_segments=N)
    h = x + agg
    h = jnp.maximum(h @ W1 + b1, 0.0)
    return h @ W2 + b2


def reference(x, edge_index, W1_0, b1_0, W2_0, b2_0, W1_1, b1_1, W2_1, b2_1, W1_2, b1_2, W2_2, b2_2, Wlin, blin):
    src = edge_index[0]
    dst = edge_index[1]
    params = [(W1_0, b1_0, W2_0, b2_0), (W1_1, b1_1, W2_1, b2_1), (W1_2, b1_2, W2_2, b2_2)]
    h = x
    for (W1, b1, W2, b2) in params:
        h = _gin_conv(h, src, dst, W1, b1, W2, b2)
        h = jnp.maximum(h, 0.0)
    out = h @ Wlin + blin
    return out

if __name__ == "__main__":
    import jax
    _d = setup_inputs()
    print(jax.jit(kernel)(*tuple(_d.values())))

</pallas_src>

<mosaic_0001>
#map = affine_map<(d0, d1) -> (0, 0, 0)>
#map1 = affine_map<(d0, d1) -> (0, 0)>
module attributes {stable_mosaic.version = 14 : i64} {
  func.func @_sc_aggregate_body(%arg0: i32, %arg1: i32, %arg2: memref<2500x2x128xi32, #tpu.memory_space<hbm>>, %arg3: memref<10000x128xf32, #tpu.memory_space<hbm>>, %arg4: memref<2x10000x128xf32, #tpu.memory_space<hbm>>, %arg5: memref<2x128xi32, #tpu.memory_space<vmem>>, %arg6: memref<2x128xi32, #tpu.memory_space<vmem>>, %arg7: memref<2x128xi32, #tpu.memory_space<vmem>>, %arg8: memref<128x128xf32, #tpu.memory_space<vmem>>, %arg9: memref<128x128xf32, #tpu.memory_space<vmem>>, %arg10: memref<128x128xf32, #tpu.memory_space<vmem>>, %arg11: memref<10000x128xf32, #tpu.memory_space<vmem_shared>>, %arg12: memref<!tpu.dma_semaphore, #tpu.memory_space<semaphore_mem>>, %arg13: memref<!tpu.dma_semaphore, #tpu.memory_space<semaphore_mem>>, %arg14: memref<!tpu.dma_semaphore, #tpu.memory_space<semaphore_mem>>, %arg15: memref<!tpu.dma_semaphore, #tpu.memory_space<semaphore_mem>>, %arg16: memref<!tpu.dma_semaphore, #tpu.memory_space<semaphore_mem>>, %arg17: memref<!tpu.dma_semaphore, #tpu.memory_space<semaphore_mem>>) attributes {dimension_semantics = [#tpu.dimension_semantics<core_parallel>, #tpu.dimension_semantics<subcore_parallel>], iteration_bounds = array<i64: 2, 16>, scalar_prefetch = 0 : i64, scratch_operands = 13 : i64, tpu.core_type = #tpu.core_type<sc_vector_subcore>, window_params = [{transform_indices = #map}, {transform_indices = #map1}, {transform_indices = #map}]} {
    %mul3A = arith.constant 16 : i32
    %mul3A_0 = arith.muli %arg0, %mul3A : i32
    %add3A = arith.addi %mul3A_0, %arg1 : i32
    %broadcast_in_dim3A = arith.constant 0.000000e+00 : f32
    %broadcast_in_dim3A_1 = vector.broadcast %broadcast_in_dim3A : f32 to vector<16xf32>
    %scan3A = arith.constant 0 : i32
    %scan3A_2 = arith.constant 128 : i32
    %scan3A_3 = arith.addi %scan3A, %scan3A_2 : i32
    %scan3A_4 = arith.constant 1 : i32
    scf.for %scan3A_233 = %scan3A to %scan3A_3 step %scan3A_4  : i32 {
      %mul3A_234 = arith.constant 1 : i32
      %mul3A_235 = arith.muli %scan3A_233, %mul3A_234 : i32
      %add3A_236 = arith.constant 0 : i32
      %add3A_237 = arith.addi %add3A_236, %mul3A_235 : i32
      %swap3A = arith.index_cast %add3A_237 : i32 to index
      %swap3A_238 = arith.constant 0 : index
      %swap3A_239 = tpu.vector_load %arg10[%swap3A, %swap3A_238] {strides = array<i32>} : memref<128x128xf32, #tpu.memory_space<vmem>>, vector<1x16xf32>,
      %swap3A_240 = vector.shape_cast %swap3A_239 : vector<1x16xf32> to vector<16xf32>
      %swap3A_241 = vector.shape_cast %broadcast_in_dim3A_1 : vector<16xf32> to vector<1x16xf32>
      tpu.vector_store %arg10[%swap3A, %swap3A_238], %swap3A_241 {strides = array<i32>} : memref<128x128xf32, #tpu.memory_space<vmem>>, vector<1x16xf32>,
      %swap3A_242 = arith.index_cast %add3A_237 : i32 to index
      %swap3A_243 = arith.constant 16 : index
      %swap3A_244 = tpu.vector_load %arg10[%swap3A_242, %swap3A_243] {strides = array<i32>} : memref<128x128xf32, #tpu.memory_space<vmem>>, vector<1x16xf32>,
      %swap3A_245 = vector.shape_cast %swap3A_244 : vector<1x16xf32> to vector<16xf32>
      %swap3A_246 = vector.shape_cast %broadcast_in_dim3A_1 : vector<16xf32> to vector<1x16xf32>
      tpu.vector_store %arg10[%swap3A_242, %swap3A_243], %swap3A_246 {strides = array<i32>} : memref<128x128xf32, #tpu.memory_space<vmem>>, vector<1x16xf32>,
      %swap3A_247 = arith.index_cast %add3A_237 : i32 to index
      %swap3A_248 = arith.constant 32 : index
      %swap3A_249 = tpu.vector_load %arg10[%swap3A_247, %swap3A_248] {strides = array<i32>} : memref<128x128xf32, #tpu.memory_space<vmem>>, vector<1x16xf32>,
      %swap3A_250 = vector.shape_cast %swap3A_249 : vector<1x16xf32> to vector<16xf32>
      %swap3A_251 = vector.shape_cast %broadcast_in_dim3A_1 : vector<16xf32> to vector<1x16xf32>
      tpu.vector_store %arg10[%swap3A_247, %swap3A_248], %swap3A_251 {strides = array<i32>} : memref<128x128xf32, #tpu.memory_space<vmem>>, vector<1x16xf32>,
      %swap3A_252 = arith.index_cast %add3A_237 : i32 to index
      %swap3A_253 = arith.constant 48 : index
      %swap3A_254 = tpu.vector_load %arg10[%swap3A_252, %swap3A_253] {strides = array<i32>} : memref<128x128xf32, #tpu.memory_space<vmem>>, vector<1x16xf32>,
      %swap3A_255 = vector.shape_cast %swap3A_254 : vector<1x16xf32> to vector<16xf32>
      %swap3A_256 = vector.shape_cast %broadcast_in_dim3A_1 : vector<16xf32> to vector<1x16xf32>
      tpu.vector_store %arg10[%swap3A_252, %swap3A_253], %swap3A_256 {strides = array<i32>} : memref<128x128xf32, #tpu.memory_space<vmem>>, vector<1x16xf32>,
      %swap3A_257 = arith.index_cast %add3A_237 : i32 to index
      %swap3A_258 = arith.constant 64 : index
      %swap3A_259 = tpu.vector_load %arg10[%swap3A_257, %swap3A_258] {strides = array<i32>} : memref<128x128xf32, #tpu.memory_space<vmem>>, vector<1x16xf32>,
      %swap3A_260 = vector.shape_cast %swap3A_259 : vector<1x16xf32> to vector<16xf32>
      %swap3A_261 = vector.shape_cast %broadcast_in_dim3A_1 : vector<16xf32> to vector<1x16xf32>
      tpu.vector_store %arg10[%swap3A_257, %swap3A_258], %swap3A_261 {strides = array<i32>} : memref<128x128xf32, #tpu.memory_space<vmem>>, vector<1x16xf32>,
      %swap3A_262 = arith.index_cast %add3A_237 : i32 to index
      %swap3A_263 = arith.constant 80 : index
      %swap3A_264 = tpu.vector_load %arg10[%swap3A_262, %swap3A_263] {strides = array<i32>} : memref<128x128xf32, #tpu.memory_space<vmem>>, vector<1x16xf32>,
      %swap3A_265 = vector.shape_cast %swap3A_264 : vector<1x16xf32> to vector<16xf32>
      %swap3A_266 = vector.shape_cast %broadcast_in_dim3A_1 : vector<16xf32> to vector<1x16xf32>
      tpu.vector_store %arg10[%swap3A_262, %swap3A_263], %swap3A_266 {strides = array<i32>} : memref<128x128xf32, #tpu.memory_space<vmem>>, vector<1x16xf32>,
      %swap3A_267 = arith.index_cast %add3A_237 : i32 to index
      %swap3A_268 = arith.constant 96 : index
      %swap3A_269 = tpu.vector_load %arg10[%swap3A_267, %swap3A_268] {strides = array<i32>} : memref<128x128xf32, #tpu.memory_space<vmem>>, vector<1x16xf32>,
      %swap3A_270 = vector.shape_cast %swap3A_269 : vector<1x16xf32> to vector<16xf32>
      %swap3A_271 = vector.shape_cast %broadcast_in_dim3A_1 : vector<16xf32> to vector<1x16xf32>
      tpu.vector_store %arg10[%swap3A_267, %swap3A_268], %swap3A_271 {strides = array<i32>} : memref<128x128xf32, #tpu.memory_space<vmem>>, vector<1x16xf32>,
      %swap3A_272 = arith.index_cast %add3A_237 : i32 to index
      %swap3A_273 = arith.constant 112 : index
      %swap3A_274 = tpu.vector_load %arg10[%swap3A_272, %swap3A_273] {strides = array<i32>} : memref<128x128xf32, #tpu.memory_space<vmem>>, vector<1x16xf32>,
      %swap3A_275 = vector.shape_cast %swap3A_274 : vector<1x16xf32> to vector<16xf32>
      %swap3A_276 = vector.shape_cast %broadcast_in_dim3A_1 : vector<16xf32> to vector<1x16xf32>
      tpu.vector_store %arg10[%swap3A_272, %swap3A_273], %swap3A_276 {strides = array<i32>} : memref<128x128xf32, #tpu.memory_space<vmem>>, vector<1x16xf32>,
    }
    %scan3A_5 = arith.constant 128 : i32
    %mul3A_6 = arith.constant 78 : i32
    %mul3A_7 = arith.muli %add3A, %mul3A_6 : i32
    "tpu.region"() ({
      %run_scoped3A = tpu.sem_alloc : memref<!tpu.dma_semaphore, #tpu.memory_space<semaphore_mem>>
      %dma_start3A_233 = arith.constant 0 : i32
      %dma_start3A_234 = arith.constant 0 : i32
      %dma_start3A_235 = tpu.memref_slice %arg2[%mul3A_7, %dma_start3A_233, %dma_start3A_234] : memref<2500x2x128xi32, #tpu.memory_space<hbm>> -> memref<1x2x128xi32, #tpu.memory_space<hbm>>
      %dma_start3A_236 = tpu.memref_squeeze %dma_start3A_235 : memref<1x2x128xi32, #tpu.memory_space<hbm>> -> memref<2x128xi32, #tpu.memory_space<hbm>>
      %dma_start3A_237 = arith.constant 0 : i32
      %dma_start3A_238 = arith.constant 0 : i32
      %dma_start3A_239 = tpu.memref_slice %arg2[%mul3A_7, %dma_start3A_237, %dma_start3A_238] : memref<2500x2x128xi32, #tpu.memory_space<hbm>> -> memref<1x2x128xi32, #tpu.memory_space<hbm>>
      %dma_start3A_240 = tpu.memref_squeeze %dma_start3A_239 : memref<1x2x128xi32, #tpu.memory_space<hbm>> -> memref<2x128xi32, #tpu.memory_space<hbm>>
      tpu.enqueue_dma source(%dma_start3A_240 : memref<2x128xi32, #tpu.memory_space<hbm>>) target(%arg5 : memref<2x128xi32, #tpu.memory_space<vmem>>) target_semaphore(%run_scoped3A : memref<!tpu.dma_semaphore, #tpu.memory_space<semaphore_mem>>)
      %dma_wait3A_241 = arith.constant 0 : i32
      %dma_wait3A_242 = arith.constant 0 : i32
      %dma_wait3A_243 = tpu.memref_slice %arg2[%mul3A_7, %dma_wait3A_241, %dma_wait3A_242] : memref<2500x2x128xi32, #tpu.memory_space<hbm>> -> memref<1x2x128xi32, #tpu.memory_space<hbm>>
      %dma_wait3A_244 = tpu.memref_squeeze %dma_wait3A_243 : memref<1x2x128xi32, #tpu.memory_space<hbm>> -> memref<2x128xi32, #tpu.memory_space<hbm>>
      %dma_wait3A_245 = arith.constant 0 : i32
      %dma_wait3A_246 = arith.constant 0 : i32
      %dma_wait3A_247 = tpu.memref_slice %arg2[%mul3A_7, %dma_wait3A_245, %dma_wait3A_246] : memref<2500x2x128xi32, #tpu.memory_space<hbm>> -> memref<1x2x128xi32, #tpu.memory_space<hbm>>
      %dma_wait3A_248 = tpu.memref_squeeze %dma_wait3A_247 : memref<1x2x128xi32, #tpu.memory_space<hbm>> -> memref<2x128xi32, #tpu.memory_space<hbm>>
      tpu.wait_dma2 semaphore(%run_scoped3A : memref<!tpu.dma_semaphore, #tpu.memory_space<semaphore_mem>>) src(%dma_wait3A_248 : memref<2x128xi32, #tpu.memory_space<hbm>>) dst(%arg5 : memref<2x128xi32, #tpu.memory_space<vmem>>)
      tpu.yield
    }) : () -> ()
    %dma_start3A = arith.constant 0 : i32
    %dma_start3A_8 = arith.constant 0 : i32
    %dma_start3A_9 = tpu.memref_slice %arg5[%dma_start3A, %dma_start3A_8] : memref<2x128xi32, #tpu.memory_space<vmem>> -> memref<1x128xi32, #tpu.memory_space<vmem>>
    %dma_start3A_10 = tpu.memref_squeeze %dma_start3A_9 : memref<1x128xi32, #tpu.memory_space<vmem>> -> memref<128xi32, #tpu.memory_space<vmem>>
    %dma_start3A_11 = arith.constant 0 : i32
    %dma_start3A_12 = arith.constant 0 : i32
    %dma_start3A_13 = tpu.memref_slice %arg3[%dma_start3A_11, %dma_start3A_12] : memref<10000x128xf32, #tpu.memory_space<hbm>> -> memref<10000x128xf32, #tpu.memory_space<hbm>>
    tpu.enqueue_indirect_dma source(%dma_start3A_13 : memref<10000x128xf32, #tpu.memory_space<hbm>>) target(%arg8 : memref<128x128xf32, #tpu.memory_space<vmem>>) offsets(%dma_start3A_10 : memref<128xi32, #tpu.memory_space<vmem>>) semaphore(%arg12 : memref<!tpu.dma_semaphore, #tpu.memory_space<semaphore_mem>>)
    %add3A_14 = arith.constant 1 : i32
    %add3A_15 = arith.addi %mul3A_7, %add3A_14 : i32
    "tpu.region"() ({
      %run_scoped3A = tpu.sem_alloc : memref<!tpu.dma_semaphore, #tpu.memory_space<semaphore_mem>>
      %dma_start3A_233 = arith.constant 0 : i32
      %dma_start3A_234 = arith.constant 0 : i32
      %dma_start3A_235 = tpu.memref_slice %arg2[%add3A_15, %dma_start3A_233, %dma_start3A_234] : memref<2500x2x128xi32, #tpu.memory_space<hbm>> -> memref<1x2x128xi32, #tpu.memory_space<hbm>>
      %dma_start3A_236 = tpu.memref_squeeze %dma_start3A_235 : memref<1x2x128xi32, #tpu.memory_space<hbm>> -> memref<2x128xi32, #tpu.memory_space<hbm>>
      %dma_start3A_237 = arith.constant 0 : i32
      %dma_start3A_238 = arith.constant 0 : i32
      %dma_start3A_239 = tpu.memref_slice %arg2[%add3A_15, %dma_start3A_237, %dma_start3A_238] : memref<2500x2x128xi32, #tpu.memory_space<hbm>> -> memref<1x2x128xi32, #tpu.memory_space<hbm>>
      %dma_start3A_240 = tpu.memref_squeeze %dma_start3A_239 : memref<1x2x128xi32, #tpu.memory_space<hbm>> -> memref<2x128xi32, #tpu.memory_space<hbm>>
      tpu.enqueue_dma source(%dma_start3A_240 : memref<2x128xi32, #tpu.memory_space<hbm>>) target(%arg6 : memref<2x128xi32, #tpu.memory_space<vmem>>) target_semaphore(%run_scoped3A : memref<!tpu.dma_semaphore, #tpu.memory_space<semaphore_mem>>)
      %dma_wait3A_241 = arith.constant 0 : i32
      %dma_wait3A_242 = arith.constant 0 : i32
      %dma_wait3A_243 = tpu.memref_slice %arg2[%add3A_15, %dma_wait3A_241, %dma_wait3A_242] : memref<2500x2x128xi32, #tpu.memory_space<hbm>> -> memref<1x2x128xi32, #tpu.memory_space<hbm>>
      %dma_wait3A_244 = tpu.memref_squeeze %dma_wait3A_243 : memref<1x2x128xi32, #tpu.memory_space<hbm>> -> memref<2x128xi32, #tpu.memory_space<hbm>>
      %dma_wait3A_245 = arith.constant 0 : i32
      %dma_wait3A_246 = arith.constant 0 : i32
      %dma_wait3A_247 = tpu.memref_slice %arg2[%add3A_15, %dma_wait3A_245, %dma_wait3A_246] : memref<2500x2x128xi32, #tpu.memory_space<hbm>> -> memref<1x2x128xi32, #tpu.memory_space<hbm>>
      %dma_wait3A_248 = tpu.memref_squeeze %dma_wait3A_247 : memref<1x2x128xi32, #tpu.memory_space<hbm>> -> memref<2x128xi32, #tpu.memory_space<hbm>>
      tpu.wait_dma2 semaphore(%run_scoped3A : memref<!tpu.dma_semaphore, #tpu.memory_space<semaphore_mem>>) src(%dma_wait3A_248 : memref<2x128xi32, #tpu.memory_space<hbm>>) dst(%arg6 : memref<2x128xi32, #tpu.memory_space<vmem>>)
      tpu.yield
    }) : () -> ()
    %dma_start3A_16 = arith.constant 0 : i32
    %dma_start3A_17 = arith.constant 0 : i32
    %dma_start3A_18 = tpu.memref_slice %arg6[%dma_start3A_16, %dma_start3A_17] : memref<2x128xi32, #tpu.memory_space<vmem>> -> memref<1x128xi32, #tpu.memory_space<vmem>>
    %dma_start3A_19 = tpu.memref_squeeze %dma_start3A_18 : memref<1x128xi32, #tpu.memory_space<vmem>> -> memref<128xi32, #tpu.memory_space<vmem>>
    %dma_start3A_20 = arith.constant 0 : i32
    %dma_start3A_21 = arith.constant 0 : i32
    %dma_start3A_22 = tpu.memref_slice %arg3[%dma_start3A_20, %dma_start3A_21] : memref<10000x128xf32, #tpu.memory_space<hbm>> -> memref<10000x128xf32, #tpu.memory_space<hbm>>
    tpu.enqueue_indirect_dma source(%dma_start3A_22 : memref<10000x128xf32, #tpu.memory_space<hbm>>) target(%arg9 : memref<128x128xf32, #tpu.memory_space<vmem>>) offsets(%dma_start3A_19 : memref<128xi32, #tpu.memory_space<vmem>>) semaphore(%arg13 : memref<!tpu.dma_semaphore, #tpu.memory_space<semaphore_mem>>)
    %mul3A_23 = arith.constant 624 : i32
    %mul3A_24 = arith.muli %arg1, %mul3A_23 : i32
    %add3A_25 = arith.constant 0 : i32
    %add3A_26 = arith.addi %mul3A_24, %add3A_25 : i32
    "tpu.region"() ({
      %run_scoped3A = tpu.sem_alloc : memref<!tpu.dma_semaphore, #tpu.memory_space<semaphore_mem>>
      %dma_start3A_233 = arith.constant 0 : i32
      %dma_start3A_234 = tpu.memref_slice %arg11[%add3A_26, %dma_start3A_233] : memref<10000x128xf32, #tpu.memory_space<vmem_shared>> -> memref<128x128xf32, #tpu.memory_space<vmem_shared>>
      %dma_start3A_235 = arith.constant 0 : i32
      %dma_start3A_236 = tpu.memref_slice %arg11[%add3A_26, %dma_start3A_235] : memref<10000x128xf32, #tpu.memory_space<vmem_shared>> -> memref<128x128xf32, #tpu.memory_space<vmem_shared>>
      tpu.enqueue_dma source(%arg10 : memref<128x128xf32, #tpu.memory_space<vmem>>) target(%dma_start3A_236 : memref<128x128xf32, #tpu.memory_space<vmem_shared>>) target_semaphore(%run_scoped3A : memref<!tpu.dma_semaphore, #tpu.memory_space<semaphore_mem>>)
      %dma_wait3A_237 = arith.constant 0 : i32
      %dma_wait3A_238 = tpu.memref_slice %arg11[%add3A_26, %dma_wait3A_237] : memref<10000x128xf32, #tpu.memory_space<vmem_shared>> -> memref<128x128xf32, #tpu.memory_space<vmem_shared>>
      %dma_wait3A_239 = arith.constant 0 : i32
      %dma_wait3A_240 = tpu.memref_slice %arg11[%add3A_26, %dma_wait3A_239] : memref<10000x128xf32, #tpu.memory_space<vmem_shared>> -> memref<128x128xf32, #tpu.memory_space<vmem_shared>>
      tpu.wait_dma2 semaphore(%run_scoped3A : memref<!tpu.dma_semaphore, #tpu.memory_space<semaphore_mem>>) src(%arg10 : memref<128x128xf32, #tpu.memory_space<vmem>>) dst(%dma_wait3A_240 : memref<128x128xf32, #tpu.memory_space<vmem_shared>>)
      tpu.yield
    }) : () -> ()
    %mul3A_27 = arith.constant 624 : i32
    %mul3A_28 = arith.muli %arg1, %mul3A_27 : i32
    %add3A_29 = arith.constant 128 : i32
    %add3A_30 = arith.addi %mul3A_28, %add3A_29 : i32
    "tpu.region"() ({
      %run_scoped3A = tpu.sem_alloc : memref<!tpu.dma_semaphore, #tpu.memory_space<semaphore_mem>>
      %dma_start3A_233 = arith.constant 0 : i32
      %dma_start3A_234 = tpu.memref_slice %arg11[%add3A_30, %dma_start3A_233] : memref<10000x128xf32, #tpu.memory_space<vmem_shared>> -> memref<128x128xf32, #tpu.memory_space<vmem_shared>>
      %dma_start3A_235 = arith.constant 0 : i32
      %dma_start3A_236 = tpu.memref_slice %arg11[%add3A_30, %dma_start3A_235] : memref<10000x128xf32, #tpu.memory_space<vmem_shared>> -> memref<128x128xf32, #tpu.memory_space<vmem_shared>>
      tpu.enqueue_dma source(%arg10 : memref<128x128xf32, #tpu.memory_space<vmem>>) target(%dma_start3A_236 : memref<128x128xf32, #tpu.memory_space<vmem_shared>>) target_semaphore(%run_scoped3A : memref<!tpu.dma_semaphore, #tpu.memory_space<semaphore_mem>>)
      %dma_wait3A_237 = arith.constant 0 : i32
      %dma_wait3A_238 = tpu.memref_slice %arg11[%add3A_30, %dma_wait3A_237] : memref<10000x128xf32, #tpu.memory_space<vmem_shared>> -> memref<128x128xf32, #tpu.memory_space<vmem_shared>>
      %dma_wait3A_239 = arith.constant 0 : i32
      %dma_wait3A_240 = tpu.memref_slice %arg11[%add3A_30, %dma_wait3A_239] : memref<10000x128xf32, #tpu.memory_space<vmem_shared>> -> memref<128x128xf32, #tpu.memory_space<vmem_shared>>
      tpu.wait_dma2 semaphore(%run_scoped3A : memref<!tpu.dma_semaphore, #tpu.memory_space<semaphore_mem>>) src(%arg10 : memref<128x128xf32, #tpu.memory_space<vmem>>) dst(%dma_wait3A_240 : memref<128x128xf32, #tpu.memory_space<vmem_shared>>)
      tpu.yield
    }) : () -> ()
    %mul3A_31 = arith.constant 624 : i32
    %mul3A_32 = arith.muli %arg1, %mul3A_31 : i32
    %add3A_33 = arith.constant 256 : i32
    %add3A_34 = arith.addi %mul3A_32, %add3A_33 : i32
    "tpu.region"() ({
      %run_scoped3A = tpu.sem_alloc : memref<!tpu.dma_semaphore, #tpu.memory_space<semaphore_mem>>
      %dma_start3A_233 = arith.constant 0 : i32
      %dma_start3A_234 = tpu.memref_slice %arg11[%add3A_34, %dma_start3A_233] : memref<10000x128xf32, #tpu.memory_space<vmem_shared>> -> memref<128x128xf32, #tpu.memory_space<vmem_shared>>
      %dma_start3A_235 = arith.constant 0 : i32
      %dma_start3A_236 = tpu.memref_slice %arg11[%add3A_34, %dma_start3A_235] : memref<10000x128xf32, #tpu.memory_space<vmem_shared>> -> memref<128x128xf32, #tpu.memory_space<vmem_shared>>
      tpu.enqueue_dma source(%arg10 : memref<128x128xf32, #tpu.memory_space<vmem>>) target(%dma_start3A_236 : memref<128x128xf32, #tpu.memory_space<vmem_shared>>) target_semaphore(%run_scoped3A : memref<!tpu.dma_semaphore, #tpu.memory_space<semaphore_mem>>)
      %dma_wait3A_237 = arith.constant 0 : i32
      %dma_wait3A_238 = tpu.memref_slice %arg11[%add3A_34, %dma_wait3A_237] : memref<10000x128xf32, #tpu.memory_space<vmem_shared>> -> memref<128x128xf32, #tpu.memory_space<vmem_shared>>
      %dma_wait3A_239 = arith.constant 0 : i32
      %dma_wait3A_240 = tpu.memref_slice %arg11[%add3A_34, %dma_wait3A_239] : memref<10000x128xf32, #tpu.memory_space<vmem_shared>> -> memref<128x128xf32, #tpu.memory_space<vmem_shared>>
      tpu.wait_dma2 semaphore(%run_scoped3A : memref<!tpu.dma_semaphore, #tpu.memory_space<semaphore_mem>>) src(%arg10 : memref<128x128xf32, #tpu.memory_space<vmem>>) dst(%dma_wait3A_240 : memref<128x128xf32, #tpu.memory_space<vmem_shared>>)
      tpu.yield
    }) : () -> ()
    %mul3A_35 = arith.constant 624 : i32
    %mul3A_36 = arith.muli %arg1, %mul3A_35 : i32
    %add3A_37 = arith.constant 384 : i32
    %add3A_38 = arith.addi %mul3A_36, %add3A_37 : i32
    "tpu.region"() ({
      %run_scoped3A = tpu.sem_alloc : memref<!tpu.dma_semaphore, #tpu.memory_space<semaphore_mem>>
      %dma_start3A_233 = arith.constant 0 : i32
      %dma_start3A_234 = tpu.memref_slice %arg11[%add3A_38, %dma_start3A_233] : memref<10000x128xf32, #tpu.memory_space<vmem_shared>> -> memref<128x128xf32, #tpu.memory_space<vmem_shared>>
      %dma_start3A_235 = arith.constant 0 : i32
      %dma_start3A_236 = tpu.memref_slice %arg11[%add3A_38, %dma_start3A_235] : memref<10000x128xf32, #tpu.memory_space<vmem_shared>> -> memref<128x128xf32, #tpu.memory_space<vmem_shared>>
      tpu.enqueue_dma source(%arg10 : memref<128x128xf32, #tpu.memory_space<vmem>>) target(%dma_start3A_236 : memref<128x128xf32, #tpu.memory_space<vmem_shared>>) target_semaphore(%run_scoped3A : memref<!tpu.dma_semaphore, #tpu.memory_space<semaphore_mem>>)
      %dma_wait3A_237 = arith.constant 0 : i32
      %dma_wait3A_238 = tpu.memref_slice %arg11[%add3A_38, %dma_wait3A_237] : memref<10000x128xf32, #tpu.memory_space<vmem_shared>> -> memref<128x128xf32, #tpu.memory_space<vmem_shared>>
      %dma_wait3A_239 = arith.constant 0 : i32
      %dma_wait3A_240 = tpu.memref_slice %arg11[%add3A_38, %dma_wait3A_239] : memref<10000x128xf32, #tpu.memory_space<vmem_shared>> -> memref<128x128xf32, #tpu.memory_space<vmem_shared>>
      tpu.wait_dma2 semaphore(%run_scoped3A : memref<!tpu.dma_semaphore, #tpu.memory_space<semaphore_mem>>) src(%arg10 : memref<128x128xf32, #tpu.memory_space<vmem>>) dst(%dma_wait3A_240 : memref<128x128xf32, #tpu.memory_space<vmem_shared>>)
      tpu.yield
    }) : () -> ()
    %mul3A_39 = arith.constant 624 : i32
    %mul3A_40 = arith.muli %arg1, %mul3A_39 : i32
    %add3A_41 = arith.constant 512 : i32
    %add3A_42 = arith.addi %mul3A_40, %add3A_41 : i32
    "tpu.region"() ({
      %run_scoped3A = tpu.sem_alloc : memref<!tpu.dma_semaphore, #tpu.memory_space<semaphore_mem>>
      %dma_start3A_233 = arith.constant 0 : i32
      %dma_start3A_234 = arith.constant 0 : i32
      %dma_start3A_235 = tpu.memref_slice %arg10[%dma_start3A_233, %dma_start3A_234] : memref<128x128xf32, #tpu.memory_space<vmem>> -> memref<112x128xf32, #tpu.memory_space<vmem>>
      %dma_start3A_236 = arith.constant 0 : i32
      %dma_start3A_237 = tpu.memref_slice %arg11[%add3A_42, %dma_start3A_236] : memref<10000x128xf32, #tpu.memory_space<vmem_shared>> -> memref<112x128xf32, #tpu.memory_space<vmem_shared>>
      %dma_start3A_238 = arith.constant 0 : i32
      %dma_start3A_239 = tpu.memref_slice %arg11[%add3A_42, %dma_start3A_238] : memref<10000x128xf32, #tpu.memory_space<vmem_shared>> -> memref<112x128xf32, #tpu.memory_space<vmem_shared>>
      %dma_start3A_240 = arith.constant 0 : i32
      %dma_start3A_241 = arith.constant 0 : i32
      %dma_start3A_242 = tpu.memref_slice %arg10[%dma_start3A_240, %dma_start3A_241] : memref<128x128xf32, #tpu.memory_space<vmem>> -> memref<112x128xf32, #tpu.memory_space<vmem>>
      tpu.enqueue_dma source(%dma_start3A_242 : memref<112x128xf32, #tpu.memory_space<vmem>>) target(%dma_start3A_239 : memref<112x128xf32, #tpu.memory_space<vmem_shared>>) target_semaphore(%run_scoped3A : memref<!tpu.dma_semaphore, #tpu.memory_space<semaphore_mem>>)
      %dma_wait3A_243 = arith.constant 0 : i32
      %dma_wait3A_244 = arith.constant 0 : i32
      %dma_wait3A_245 = tpu.memref_slice %arg10[%dma_wait3A_243, %dma_wait3A_244] : memref<128x128xf32, #tpu.memory_space<vmem>> -> memref<112x128xf32, #tpu.memory_space<vmem>>
      %dma_wait3A_246 = arith.constant 0 : i32
      %dma_wait3A_247 = tpu.memref_slice %arg11[%add3A_42, %dma_wait3A_246] : memref<10000x128xf32, #tpu.memory_space<vmem_shared>> -> memref<112x128xf32, #tpu.memory_space<vmem_shared>>
      %dma_wait3A_248 = arith.constant 0 : i32
      %dma_wait3A_249 = tpu.memref_slice %arg11[%add3A_42, %dma_wait3A_248] : memref<10000x128xf32, #tpu.memory_space<vmem_shared>> -> memref<112x128xf32, #tpu.memory_space<vmem_shared>>
      %dma_wait3A_250 = arith.constant 0 : i32
      %dma_wait3A_251 = arith.constant 0 : i32
      %dma_wait3A_252 = tpu.memref_slice %arg10[%dma_wait3A_250, %dma_wait3A_251] : memref<128x128xf32, #tpu.memory_space<vmem>> -> memref<112x128xf32, #tpu.memory_space<vmem>>
      tpu.wait_dma2 semaphore(%run_scoped3A : memref<!tpu.dma_semaphore, #tpu.memory_space<semaphore_mem>>) src(%dma_wait3A_252 : memref<112x128xf32, #tpu.memory_space<vmem>>) dst(%dma_wait3A_249 : memref<112x128xf32, #tpu.memory_space<vmem_shared>>)
      tpu.yield
    }) : () -> ()
    %eq3A = arith.constant 15 : i32
    %eq3A_43 = arith.cmpi eq, %arg1, %eq3A : i32
    %convert_element_type3A = arith.extui %eq3A_43 : i1 to i32
    %cond3A = arith.constant 0 : i32
    %cond3A_44 = arith.cmpi ne, %convert_element_type3A, %cond3A : i32
    scf.if %cond3A_44 {
      "tpu.region"() ({
        %run_scoped3A = tpu.sem_alloc : memref<!tpu.dma_semaphore, #tpu.memory_space<semaphore_mem>>
        %dma_start3A_233 = arith.constant 0 : i32
        %dma_start3A_234 = arith.constant 0 : i32
        %dma_start3A_235 = tpu.memref_slice %arg10[%dma_start3A_233, %dma_start3A_234] : memref<128x128xf32, #tpu.memory_space<vmem>> -> memref<16x128xf32, #tpu.memory_space<vmem>>
        %dma_start3A_236 = arith.constant 9984 : i32
        %dma_start3A_237 = arith.constant 0 : i32
        %dma_start3A_238 = tpu.memref_slice %arg11[%dma_start3A_236, %dma_start3A_237] : memref<10000x128xf32, #tpu.memory_space<vmem_shared>> -> memref<16x128xf32, #tpu.memory_space<vmem_shared>>
        %dma_start3A_239 = arith.constant 9984 : i32
        %dma_start3A_240 = arith.constant 0 : i32
        %dma_start3A_241 = tpu.memref_slice %arg11[%dma_start3A_239, %dma_start3A_240] : memref<10000x128xf32, #tpu.memory_space<vmem_shared>> -> memref<16x128xf32, #tpu.memory_space<vmem_shared>>
        %dma_start3A_242 = arith.constant 0 : i32
        %dma_start3A_243 = arith.constant 0 : i32
        %dma_start3A_244 = tpu.memref_slice %arg10[%dma_start3A_242, %dma_start3A_243] : memref<128x128xf32, #tpu.memory_space<vmem>> -> memref<16x128xf32, #tpu.memory_space<vmem>>
        tpu.enqueue_dma source(%dma_start3A_244 : memref<16x128xf32, #tpu.memory_space<vmem>>) target(%dma_start3A_241 : memref<16x128xf32, #tpu.memory_space<vmem_shared>>) target_semaphore(%run_scoped3A : memref<!tpu.dma_semaphore, #tpu.memory_space<semaphore_mem>>)
        %dma_wait3A_245 = arith.constant 0 : i32
        %dma_wait3A_246 = arith.constant 0 : i32
        %dma_wait3A_247 = tpu.memref_slice %arg10[%dma_wait3A_245, %dma_wait3A_246] : memref<128x128xf32, #tpu.memory_space<vmem>> -> memref<16x128xf32, #tpu.memory_space<vmem>>
        %dma_wait3A_248 = arith.constant 9984 : i32
        %dma_wait3A_249 = arith.constant 0 : i32
        %dma_wait3A_250 = tpu.memref_slice %arg11[%dma_wait3A_248, %dma_wait3A_249] : memref<10000x128xf32, #tpu.memory_space<vmem_shared>> -> memref<16x128xf32, #tpu.memory_space<vmem_shared>>
        %dma_wait3A_251 = arith.constant 9984 : i32
        %dma_wait3A_252 = arith.constant 0 : i32
        %dma_wait3A_253 = tpu.memref_slice %arg11[%dma_wait3A_251, %dma_wait3A_252] : memref<10000x128xf32, #tpu.memory_space<vmem_shared>> -> memref<16x128xf32, #tpu.memory_space<vmem_shared>>
        %dma_wait3A_254 = arith.constant 0 : i32
        %dma_wait3A_255 = arith.constant 0 : i32
        %dma_wait3A_256 = tpu.memref_slice %arg10[%dma_wait3A_254, %dma_wait3A_255] : memref<128x128xf32, #tpu.memory_space<vmem>> -> memref<16x128xf32, #tpu.memory_space<vmem>>
        tpu.wait_dma2 semaphore(%run_scoped3A : memref<!tpu.dma_semaphore, #tpu.memory_space<semaphore_mem>>) src(%dma_wait3A_256 : memref<16x128xf32, #tpu.memory_space<vmem>>) dst(%dma_wait3A_253 : memref<16x128xf32, #tpu.memory_space<vmem_shared>>)
        tpu.yield
      }) : () -> ()
    } else {
    }
    %barrier3A = arith.constant 0 : index
    tpu.barrier barrier_id(%barrier3A)
    %dma_wait3A = arith.constant 0 : i32
    %dma_wait3A_45 = arith.constant 0 : i32
    %dma_wait3A_46 = tpu.memref_slice %arg5[%dma_wait3A, %dma_wait3A_45] : memref<2x128xi32, #tpu.memory_space<vmem>> -> memref<1x128xi32, #tpu.memory_space<vmem>>
    %dma_wait3A_47 = tpu.memref_squeeze %dma_wait3A_46 : memref<1x128xi32, #tpu.memory_space<vmem>> -> memref<128xi32, #tpu.memory_space<vmem>>
    %dma_wait3A_48 = arith.constant 0 : i32
    %dma_wait3A_49 = arith.constant 0 : i32
    %dma_wait3A_50 = tpu.memref_slice %arg3[%dma_wait3A_48, %dma_wait3A_49] : memref<10000x128xf32, #tpu.memory_space<hbm>> -> memref<10000x128xf32, #tpu.memory_space<hbm>>
    tpu.wait_indirect_dma semaphore(%arg12 : memref<!tpu.dma_semaphore, #tpu.memory_space<semaphore_mem>>) src(%dma_wait3A_50 : memref<10000x128xf32, #tpu.memory_space<hbm>>) dst(%arg8 : memref<128x128xf32, #tpu.memory_space<vmem>>)
    %dma_start3A_51 = arith.constant 1 : i32
    %dma_start3A_52 = arith.constant 0 : i32
    %dma_start3A_53 = tpu.memref_slice %arg5[%dma_start3A_51, %dma_start3A_52] : memref<2x128xi32, #tpu.memory_space<vmem>> -> memref<1x128xi32, #tpu.memory_space<vmem>>
    %dma_start3A_54 = tpu.memref_squeeze %dma_start3A_53 : memref<1x128xi32, #tpu.memory_space<vmem>> -> memref<128xi32, #tpu.memory_space<vmem>>
    %dma_start3A_55 = arith.constant 0 : i32
    %dma_start3A_56 = arith.constant 0 : i32
    %dma_start3A_57 = tpu.memref_slice %arg11[%dma_start3A_55, %dma_start3A_56] : memref<10000x128xf32, #tpu.memory_space<vmem_shared>> -> memref<10000x128xf32, #tpu.memory_space<vmem_shared>>
    tpu.enqueue_indirect_dma source(%arg8 : memref<128x128xf32, #tpu.memory_space<vmem>>) target(%dma_start3A_57 : memref<10000x128xf32, #tpu.memory_space<vmem_shared>>) offsets(%dma_start3A_54 : memref<128xi32, #tpu.memory_space<vmem>>) semaphore(%arg15 : memref<!tpu.dma_semaphore, #tpu.memory_space<semaphore_mem>>) {add = true}
    %add3A_58 = arith.constant 0 : i32
    %add3A_59 = arith.addi %mul3A_7, %add3A_58 : i32
    %add3A_60 = arith.constant 2 : i32
    %add3A_61 = arith.addi %add3A_59, %add3A_60 : i32
    "tpu.region"() ({
      %run_scoped3A = tpu.sem_alloc : memref<!tpu.dma_semaphore, #tpu.memory_space<semaphore_mem>>
      %dma_start3A_233 = arith.constant 0 : i32
      %dma_start3A_234 = arith.constant 0 : i32
      %dma_start3A_235 = tpu.memref_slice %arg2[%add3A_61, %dma_start3A_233, %dma_start3A_234] : memref<2500x2x128xi32, #tpu.memory_space<hbm>> -> memref<1x2x128xi32, #tpu.memory_space<hbm>>
      %dma_start3A_236 = tpu.memref_squeeze %dma_start3A_235 : memref<1x2x128xi32, #tpu.memory_space<hbm>> -> memref<2x128xi32, #tpu.memory_space<hbm>>
      %dma_start3A_237 = arith.constant 0 : i32
      %dma_start3A_238 = arith.constant 0 : i32
      %dma_start3A_239 = tpu.memref_slice %arg2[%add3A_61, %dma_start3A_237, %dma_start3A_238] : memref<2500x2x128xi32, #tpu.memory_space<hbm>> -> memref<1x2x128xi32, #tpu.memory_space<hbm>>
      %dma_start3A_240 = tpu.memref_squeeze %dma_start3A_239 : memref<1x2x128xi32, #tpu.memory_space<hbm>> -> memref<2x128xi32, #tpu.memory_space<hbm>>
      tpu.enqueue_dma source(%dma_start3A_240 : memref<2x128xi32, #tpu.memory_space<hbm>>) target(%arg7 : memref<2x128xi32, #tpu.memory_space<vmem>>) target_semaphore(%run_scoped3A : memref<!tpu.dma_semaphore, #tpu.memory_space<semaphore_mem>>)
      %dma_wait3A_241 = arith.constant 0 : i32
      %dma_wait3A_242 = arith.constant 0 : i32
      %dma_wait3A_243 = tpu.memref_slice %arg2[%add3A_61, %dma_wait3A_241, %dma_wait3A_242] : memref<2500x2x128xi32, #tpu.memory_space<hbm>> -> memref<1x2x128xi32, #tpu.memory_space<hbm>>
      %dma_wait3A_244 = tpu.memref_squeeze %dma_wait3A_243 : memref<1x2x128xi32, #tpu.memory_space<hbm>> -> memref<2x128xi32, #tpu.memory_space<hbm>>
      %dma_wait3A_245 = arith.constant 0 : i32
      %dma_wait3A_246 = arith.constant 0 : i32
      %dma_wait3A_247 = tpu.memref_slice %arg2[%add3A_61, %dma_wait3A_245, %dma_wait3A_246] : memref<2500x2x128xi32, #tpu.memory_space<hbm>> -> memref<1x2x128xi32, #tpu.memory_space<hbm>>
      %dma_wait3A_248 = tpu.memref_squeeze %dma_wait3A_247 : memref<1x2x128xi32, #tpu.memory_space<hbm>> -> memref<2x128xi32, #tpu.memory_space<hbm>>
      tpu.wait_dma2 semaphore(%run_scoped3A : memref<!tpu.dma_semaphore, #tpu.memory_space<semaphore_mem>>) src(%dma_wait3A_248 : memref<2x128xi32, #tpu.memory_space<hbm>>) dst(%arg7 : memref<2x128xi32, #tpu.memory_space<vmem>>)
      tpu.yield
    }) : () -> ()
    %dma_start3A_62 = arith.constant 0 : i32
    %dma_start3A_63 = arith.constant 0 : i32
    %dma_start3A_64 = tpu.memref_slice %arg7[%dma_start3A_62, %dma_start3A_63] : memref<2x128xi32, #tpu.memory_space<vmem>> -> memref<1x128xi32, #tpu.memory_space<vmem>>
    %dma_start3A_65 = tpu.memref_squeeze %dma_start3A_64 : memref<1x128xi32, #tpu.memory_space<vmem>> -> memref<128xi32, #tpu.memory_space<vmem>>
    %dma_start3A_66 = arith.constant 0 : i32
    %dma_start3A_67 = arith.constant 0 : i32
    %dma_start3A_68 = tpu.memref_slice %arg3[%dma_start3A_66, %dma_start3A_67] : memref<10000x128xf32, #tpu.memory_space<hbm>> -> memref<10000x128xf32, #tpu.memory_space<hbm>>
    tpu.enqueue_indirect_dma source(%dma_start3A_68 : memref<10000x128xf32, #tpu.memory_space<hbm>>) target(%arg10 : memref<128x128xf32, #tpu.memory_space<vmem>>) offsets(%dma_start3A_65 : memref<128xi32, #tpu.memory_space<vmem>>) semaphore(%arg14 : memref<!tpu.dma_semaphore, #tpu.memory_space<semaphore_mem>>)
    %dma_wait3A_69 = arith.constant 0 : i32
    %dma_wait3A_70 = arith.constant 0 : i32
    %dma_wait3A_71 = tpu.memref_slice %arg6[%dma_wait3A_69, %dma_wait3A_70] : memref<2x128xi32, #tpu.memory_space<vmem>> -> memref<1x128xi32, #tpu.memory_space<vmem>>
    %dma_wait3A_72 = tpu.memref_squeeze %dma_wait3A_71 : memref<1x128xi32, #tpu.memory_space<vmem>> -> memref<128xi32, #tpu.memory_space<vmem>>
    %dma_wait3A_73 = arith.constant 0 : i32
    %dma_wait3A_74 = arith.constant 0 : i32
    %dma_wait3A_75 = tpu.memref_slice %arg3[%dma_wait3A_73, %dma_wait3A_74] : memref<10000x128xf32, #tpu.memory_space<hbm>> -> memref<10000x128xf32, #tpu.memory_space<hbm>>
    tpu.wait_indirect_dma semaphore(%arg13 : memref<!tpu.dma_semaphore, #tpu.memory_space<semaphore_mem>>) src(%dma_wait3A_75 : memref<10000x128xf32, #tpu.memory_space<hbm>>) dst(%arg9 : memref<128x128xf32, #tpu.memory_space<vmem>>)
    %dma_start3A_76 = arith.constant 1 : i32
    %dma_start3A_77 = arith.constant 0 : i32
    %dma_start3A_78 = tpu.memref_slice %arg6[%dma_start3A_76, %dma_start3A_77] : memref<2x128xi32, #tpu.memory_space<vmem>> -> memref<1x128xi32, #tpu.memory_space<vmem>>
    %dma_start3A_79 = tpu.memref_squeeze %dma_start3A_78 : memref<1x128xi32, #tpu.memory_space<vmem>> -> memref<128xi32, #tpu.memory_space<vmem>>
    %dma_start3A_80 = arith.constant 0 : i32
    %dma_start3A_81 = arith.constant 0 : i32
    %dma_start3A_82 = tpu.memref_slice %arg11[%dma_start3A_80, %dma_start3A_81] : memref<10000x128xf32, #tpu.memory_space<vmem_shared>> -> memref<10000x128xf32, #tpu.memory_space<vmem_shared>>
    tpu.enqueue_indirect_dma source(%arg9 : memref<128x128xf32, #tpu.memory_space<vmem>>) target(%dma_start3A_82 : memref<10000x128xf32, #tpu.memory_space<vmem_shared>>) offsets(%dma_start3A_79 : memref<128xi32, #tpu.memory_space<vmem>>) semaphore(%arg16 : memref<!tpu.dma_semaphore, #tpu.memory_space<semaphore_mem>>) {add = true}
    %dma_wait3A_83 = arith.constant 1 : i32
    %dma_wait3A_84 = arith.constant 0 : i32
    %dma_wait3A_85 = tpu.memref_slice %arg5[%dma_wait3A_83, %dma_wait3A_84] : memref<2x128xi32, #tpu.memory_space<vmem>> -> memref<1x128xi32, #tpu.memory_space<vmem>>
    %dma_wait3A_86 = tpu.memref_squeeze %dma_wait3A_85 : memref<1x128xi32, #tpu.memory_space<vmem>> -> memref<128xi32, #tpu.memory_space<vmem>>
    %dma_wait3A_87 = arith.constant 0 : i32
    %dma_wait3A_88 = arith.constant 0 : i32
    %dma_wait3A_89 = tpu.memref_slice %arg11[%dma_wait3A_87, %dma_wait3A_88] : memref<10000x128xf32, #tpu.memory_space<vmem_shared>> -> memref<10000x128xf32, #tpu.memory_space<vmem_shared>>
    tpu.wait_indirect_dma semaphore(%arg15 : memref<!tpu.dma_semaphore, #tpu.memory_space<semaphore_mem>>) src(%arg8 : memref<128x128xf32, #tpu.memory_space<vmem>>) dst(%dma_wait3A_89 : memref<10000x128xf32, #tpu.memory_space<vmem_shared>>)
    %add3A_90 = arith.constant 1 : i32
    %add3A_91 = arith.addi %mul3A_7, %add3A_90 : i32
    %add3A_92 = arith.constant 2 : i32
    %add3A_93 = arith.addi %add3A_91, %add3A_92 : i32
    "tpu.region"() ({
      %run_scoped3A = tpu.sem_alloc : memref<!tpu.dma_semaphore, #tpu.memory_space<semaphore_mem>>
      %dma_start3A_233 = arith.constant 0 : i32
      %dma_start3A_234 = arith.constant 0 : i32
      %dma_start3A_235 = tpu.memref_slice %arg2[%add3A_93, %dma_start3A_233, %dma_start3A_234] : memref<2500x2x128xi32, #tpu.memory_space<hbm>> -> memref<1x2x128xi32, #tpu.memory_space<hbm>>
      %dma_start3A_236 = tpu.memref_squeeze %dma_start3A_235 : memref<1x2x128xi32, #tpu.memory_space<hbm>> -> memref<2x128xi32, #tpu.memory_space<hbm>>
      %dma_start3A_237 = arith.constant 0 : i32
      %dma_start3A_238 = arith.constant 0 : i32
      %dma_start3A_239 = tpu.memref_slice %arg2[%add3A_93, %dma_start3A_237, %dma_start3A_238] : memref<2500x2x128xi32, #tpu.memory_space<hbm>> -> memref<1x2x128xi32, #tpu.memory_space<hbm>>
      %dma_start3A_240 = tpu.memref_squeeze %dma_start3A_239 : memref<1x2x128xi32, #tpu.memory_space<hbm>> -> memref<2x128xi32, #tpu.memory_space<hbm>>
      tpu.enqueue_dma source(%dma_start3A_240 : memref<2x128xi32, #tpu.memory_space<hbm>>) target(%arg5 : memref<2x128xi32, #tpu.memory_space<vmem>>) target_semaphore(%run_scoped3A : memref<!tpu.dma_semaphore, #tpu.memory_space<semaphore_mem>>)
      %dma_wait3A_241 = arith.constant 0 : i32
      %dma_wait3A_242 = arith.constant 0 : i32
      %dma_wait3A_243 = tpu.memref_slice %arg2[%add3A_93, %dma_wait3A_241, %dma_wait3A_242] : memref<2500x2x128xi32, #tpu.memory_space<hbm>> -> memref<1x2x128xi32, #tpu.memory_space<hbm>>
      %dma_wait3A_244 = tpu.memref_squeeze %dma_wait3A_243 : memref<1x2x128xi32, #tpu.memory_space<hbm>> -> memref<2x128xi32, #tpu.memory_space<hbm>>
      %dma_wait3A_245 = arith.constant 0 : i32
      %dma_wait3A_246 = arith.constant 0 : i32
      %dma_wait3A_247 = tpu.memref_slice %arg2[%add3A_93, %dma_wait3A_245, %dma_wait3A_246] : memref<2500x2x128xi32, #tpu.memory_space<hbm>> -> memref<1x2x128xi32, #tpu.memory_space<hbm>>
      %dma_wait3A_248 = tpu.memref_squeeze %dma_wait3A_247 : memref<1x2x128xi32, #tpu.memory_space<hbm>> -> memref<2x128xi32, #tpu.memory_space<hbm>>
      tpu.wait_dma2 semaphore(%run_scoped3A : memref<!tpu.dma_semaphore, #tpu.memory_space<semaphore_mem>>) src(%dma_wait3A_248 : memref<2x128xi32, #tpu.memory_space<hbm>>) dst(%arg5 : memref<2x128xi32, #tpu.memory_space<vmem>>)
      tpu.yield
    }) : () -> ()
    %dma_start3A_94 = arith.constant 0 : i32
    %dma_start3A_95 = arith.constant 0 : i32
    %dma_start3A_96 = tpu.memref_slice %arg5[%dma_start3A_94, %dma_start3A_95] : memref<2x128xi32, #tpu.memory_space<vmem>> -> memref<1x128xi32, #tpu.memory_space<vmem>>
    %dma_start3A_97 = tpu.memref_squeeze %dma_start3A_96 : memref<1x128xi32, #tpu.memory_space<vmem>> -> memref<128xi32, #tpu.memory_space<vmem>>
    %dma_start3A_98 = arith.constant 0 : i32
    %dma_start3A_99 = arith.constant 0 : i32
    %dma_start3A_100 = tpu.memref_slice %arg3[%dma_start3A_98, %dma_start3A_99] : memref<10000x128xf32, #tpu.memory_space<hbm>> -> memref<10000x128xf32, #tpu.memory_space<hbm>>
    tpu.enqueue_indirect_dma source(%dma_start3A_100 : memref<10000x128xf32, #tpu.memory_space<hbm>>) target(%arg8 : memref<128x128xf32, #tpu.memory_space<vmem>>) offsets(%dma_start3A_97 : memref<128xi32, #tpu.memory_space<vmem>>) semaphore(%arg12 : memref<!tpu.dma_semaphore, #tpu.memory_space<semaphore_mem>>)
    %scan3A_101 = arith.constant 0 : i32
    %scan3A_102 = arith.constant 24 : i32
    %scan3A_103 = arith.addi %scan3A_101, %scan3A_102 : i32
    %scan3A_104 = arith.constant 1 : i32
    scf.for %scan3A_233 = %scan3A_101 to %scan3A_103 step %scan3A_104  : i32 {
      %mul3A_234 = arith.constant 3 : i32
      %mul3A_235 = arith.muli %scan3A_233, %mul3A_234 : i32
      %add3A_236 = arith.constant 2 : i32
      %add3A_237 = arith.addi %add3A_236, %mul3A_235 : i32
      %add3A_238 = arith.constant 0 : i32
      %add3A_239 = arith.addi %add3A_237, %add3A_238 : i32
      %dma_wait3A_240 = arith.constant 0 : i32
      %dma_wait3A_241 = arith.constant 0 : i32
      %dma_wait3A_242 = tpu.memref_slice %arg7[%dma_wait3A_240, %dma_wait3A_241] : memref<2x128xi32, #tpu.memory_space<vmem>> -> memref<1x128xi32, #tpu.memory_space<vmem>>
      %dma_wait3A_243 = tpu.memref_squeeze %dma_wait3A_242 : memref<1x128xi32, #tpu.memory_space<vmem>> -> memref<128xi32, #tpu.memory_space<vmem>>
      %dma_wait3A_244 = arith.constant 0 : i32
      %dma_wait3A_245 = arith.constant 0 : i32
      %dma_wait3A_246 = tpu.memref_slice %arg3[%dma_wait3A_244, %dma_wait3A_245] : memref<10000x128xf32, #tpu.memory_space<hbm>> -> memref<10000x128xf32, #tpu.memory_space<hbm>>
      tpu.wait_indirect_dma semaphore(%arg14 : memref<!tpu.dma_semaphore, #tpu.memory_space<semaphore_mem>>) src(%dma_wait3A_246 : memref<10000x128xf32, #tpu.memory_space<hbm>>) dst(%arg10 : memref<128x128xf32, #tpu.memory_space<vmem>>)
      %dma_start3A_247 = arith.constant 1 : i32
      %dma_start3A_248 = arith.constant 0 : i32
      %dma_start3A_249 = tpu.memref_slice %arg7[%dma_start3A_247, %dma_start3A_248] : memref<2x128xi32, #tpu.memory_space<vmem>> -> memref<1x128xi32, #tpu.memory_space<vmem>>
      %dma_start3A_250 = tpu.memref_squeeze %dma_start3A_249 : memref<1x128xi32, #tpu.memory_space<vmem>> -> memref<128xi32, #tpu.memory_space<vmem>>
      %dma_start3A_251 = arith.constant 0 : i32
      %dma_start3A_252 = arith.constant 0 : i32
      %dma_start3A_253 = tpu.memref_slice %arg11[%dma_start3A_251, %dma_start3A_252] : memref<10000x128xf32, #tpu.memory_space<vmem_shared>> -> memref<10000x128xf32, #tpu.memory_space<vmem_shared>>
      tpu.enqueue_indirect_dma source(%arg10 : memref<128x128xf32, #tpu.memory_space<vmem>>) target(%dma_start3A_253 : memref<10000x128xf32, #tpu.memory_space<vmem_shared>>) offsets(%dma_start3A_250 : memref<128xi32, #tpu.memory_space<vmem>>) semaphore(%arg17 : memref<!tpu.dma_semaphore, #tpu.memory_space<semaphore_mem>>) {add = true}
      %dma_wait3A_254 = arith.constant 1 : i32
      %dma_wait3A_255 = arith.constant 0 : i32
      %dma_wait3A_256 = tpu.memref_slice %arg6[%dma_wait3A_254, %dma_wait3A_255] : memref<2x128xi32, #tpu.memory_space<vmem>> -> memref<1x128xi32, #tpu.memory_space<vmem>>
      %dma_wait3A_257 = tpu.memref_squeeze %dma_wait3A_256 : memref<1x128xi32, #tpu.memory_space<vmem>> -> memref<128xi32, #tpu.memory_space<vmem>>
      %dma_wait3A_258 = arith.constant 0 : i32
      %dma_wait3A_259 = arith.constant 0 : i32
      %dma_wait3A_260 = tpu.memref_slice %arg11[%dma_wait3A_258, %dma_wait3A_259] : memref<10000x128xf32, #tpu.memory_space<vmem_shared>> -> memref<10000x128xf32, #tpu.memory_space<vmem_shared>>
      tpu.wait_indirect_dma semaphore(%arg16 : memref<!tpu.dma_semaphore, #tpu.memory_space<semaphore_mem>>) src(%arg9 : memref<128x128xf32, #tpu.memory_space<vmem>>) dst(%dma_wait3A_260 : memref<10000x128xf32, #tpu.memory_space<vmem_shared>>)
      %add3A_261 = arith.addi %mul3A_7, %add3A_239 : i32
      %add3A_262 = arith.constant 2 : i32
      %add3A_263 = arith.addi %add3A_261, %add3A_262 : i32
      "tpu.region"() ({
        %run_scoped3A = tpu.sem_alloc : memref<!tpu.dma_semaphore, #tpu.memory_space<semaphore_mem>>
        %dma_start3A_337 = arith.constant 0 : i32
        %dma_start3A_338 = arith.constant 0 : i32
        %dma_start3A_339 = tpu.memref_slice %arg2[%add3A_263, %dma_start3A_337, %dma_start3A_338] : memref<2500x2x128xi32, #tpu.memory_space<hbm>> -> memref<1x2x128xi32, #tpu.memory_space<hbm>>
        %dma_start3A_340 = tpu.memref_squeeze %dma_start3A_339 : memref<1x2x128xi32, #tpu.memory_space<hbm>> -> memref<2x128xi32, #tpu.memory_space<hbm>>
        %dma_start3A_341 = arith.constant 0 : i32
        %dma_start3A_342 = arith.constant 0 : i32
        %dma_start3A_343 = tpu.memref_slice %arg2[%add3A_263, %dma_start3A_341, %dma_start3A_342] : memref<2500x2x128xi32, #tpu.memory_space<hbm>> -> memref<1x2x128xi32, #tpu.memory_space<hbm>>
        %dma_start3A_344 = tpu.memref_squeeze %dma_start3A_343 : memref<1x2x128xi32, #tpu.memory_space<hbm>> -> memref<2x128xi32, #tpu.memory_space<hbm>>
        tpu.enqueue_dma source(%dma_start3A_344 : memref<2x128xi32, #tpu.memory_space<hbm>>) target(%arg6 : memref<2x128xi32, #tpu.memory_space<vmem>>) target_semaphore(%run_scoped3A : memref<!tpu.dma_semaphore, #tpu.memory_space<semaphore_mem>>)
        %dma_wait3A_345 = arith.constant 0 : i32
        %dma_wait3A_346 = arith.constant 0 : i32
        %dma_wait3A_347 = tpu.memref_slice %arg2[%add3A_263, %dma_wait3A_345, %dma_wait3A_346] : memref<2500x2x128xi32, #tpu.memory_space<hbm>> -> memref<1x2x128xi32, #tpu.memory_space<hbm>>
        %dma_wait3A_348 = tpu.memref_squeeze %dma_wait3A_347 : memref<1x2x128xi32, #tpu.memory_space<hbm>> -> memref<2x128xi32, #tpu.memory_space<hbm>>
        %dma_wait3A_349 = arith.constant 0 : i32
        %dma_wait3A_350 = arith.constant 0 : i32
        %dma_wait3A_351 = tpu.memref_slice %arg2[%add3A_263, %dma_wait3A_349, %dma_wait3A_350] : memref<2500x2x128xi32, #tpu.memory_space<hbm>> -> memref<1x2x128xi32, #tpu.memory_space<hbm>>
        %dma_wait3A_352 = tpu.memref_squeeze %dma_wait3A_351 : memref<1x2x128xi32, #tpu.memory_space<hbm>> -> memref<2x128xi32, #tpu.memory_space<hbm>>
        tpu.wait_dma2 semaphore(%run_scoped3A : memref<!tpu.dma_semaphore, #tpu.memory_space<semaphore_mem>>) src(%dma_wait3A_352 : memref<2x128xi32, #tpu.memory_space<hbm>>) dst(%arg6 : memref<2x128xi32, #tpu.memory_space<vmem>>)
        tpu.yield
      }) : () -> ()
      %dma_start3A_264 = arith.constant 0 : i32
      %dma_start3A_265 = arith.constant 0 : i32
      %dma_start3A_266 = tpu.memref_slice %arg6[%dma_start3A_264, %dma_start3A_265] : memref<2x128xi32, #tpu.memory_space<vmem>> -> memref<1x128xi32, #tpu.memory_space<vmem>>
      %dma_start3A_267 = tpu.memref_squeeze %dma_start3A_266 : memref<1x128xi32, #tpu.memory_space<vmem>> -> memref<128xi32, #tpu.memory_space<vmem>>
      %dma_start3A_268 = arith.constant 0 : i32
      %dma_start3A_269 = arith.constant 0 : i32
      %dma_start3A_270 = tpu.memref_slice %arg3[%dma_start3A_268, %dma_start3A_269] : memref<10000x128xf32, #tpu.memory_space<hbm>> -> memref<10000x128xf32, #tpu.memory_space<hbm>>
      tpu.enqueue_indirect_dma source(%dma_start3A_270 : memref<10000x128xf32, #tpu.memory_space<hbm>>) target(%arg9 : memref<128x128xf32, #tpu.memory_space<vmem>>) offsets(%dma_start3A_267 : memref<128xi32, #tpu.memory_space<vmem>>) semaphore(%arg13 : memref<!tpu.dma_semaphore, #tpu.memory_space<semaphore_mem>>)
      %add3A_271 = arith.constant 1 : i32
      %add3A_272 = arith.addi %add3A_237, %add3A_271 : i32
      %dma_wait3A_273 = arith.constant 0 : i32
      %dma_wait3A_274 = arith.constant 0 : i32
      %dma_wait3A_275 = tpu.memref_slice %arg5[%dma_wait3A_273, %dma_wait3A_274] : memref<2x128xi32, #tpu.memory_space<vmem>> -> memref<1x128xi32, #tpu.memory_space<vmem>>
      %dma_wait3A_276 = tpu.memref_squeeze %dma_wait3A_275 : memref<1x128xi32, #tpu.memory_space<vmem>> -> memref<128xi32, #tpu.memory_space<vmem>>
      %dma_wait3A_277 = arith.constant 0 : i32
      %dma_wait3A_278 = arith.constant 0 : i32
      %dma_wait3A_279 = tpu.memref_slice %arg3[%dma_wait3A_277, %dma_wait3A_278] : memref<10000x128xf32, #tpu.memory_space<hbm>> -> memref<10000x128xf32, #tpu.memory_space<hbm>>
      tpu.wait_indirect_dma semaphore(%arg12 : memref<!tpu.dma_semaphore, #tpu.memory_space<semaphore_mem>>) src(%dma_wait3A_279 : memref<10000x128xf32, #tpu.memory_space<hbm>>) dst(%arg8 : memref<128x128xf32, #tpu.memory_space<vmem>>)
      %dma_start3A_280 = arith.constant 1 : i32
      %dma_start3A_281 = arith.constant 0 : i32
      %dma_start3A_282 = tpu.memref_slice %arg5[%dma_start3A_280, %dma_start3A_281] : memref<2x128xi32, #tpu.memory_space<vmem>> -> memref<1x128xi32, #tpu.memory_space<vmem>>
      %dma_start3A_283 = tpu.memref_squeeze %dma_start3A_282 : memref<1x128xi32, #tpu.memory_space<vmem>> -> memref<128xi32, #tpu.memory_space<vmem>>
      %dma_start3A_284 = arith.constant 0 : i32
      %dma_start3A_285 = arith.constant 0 : i32
      %dma_start3A_286 = tpu.memref_slice %arg11[%dma_start3A_284, %dma_start3A_285] : memref<10000x128xf32, #tpu.memory_space<vmem_shared>> -> memref<10000x128xf32, #tpu.memory_space<vmem_shared>>
      tpu.enqueue_indirect_dma source(%arg8 : memref<128x128xf32, #tpu.memory_space<vmem>>) target(%dma_start3A_286 : memref<10000x128xf32, #tpu.memory_space<vmem_shared>>) offsets(%dma_start3A_283 : memref<128xi32, #tpu.memory_space<vmem>>) semaphore(%arg15 : memref<!tpu.dma_semaphore, #tpu.memory_space<semaphore_mem>>) {add = true}
      %dma_wait3A_287 = arith.constant 1 : i32
      %dma_wait3A_288 = arith.constant 0 : i32
      %dma_wait3A_289 = tpu.memref_slice %arg7[%dma_wait3A_287, %dma_wait3A_288] : memref<2x128xi32, #tpu.memory_space<vmem>> -> memref<1x128xi32, #tpu.memory_space<vmem>>
      %dma_wait3A_290 = tpu.memref_squeeze %dma_wait3A_289 : memref<1x128xi32, #tpu.memory_space<vmem>> -> memref<128xi32, #tpu.memory_space<vmem>>
      %dma_wait3A_291 = arith.constant 0 : i32
      %dma_wait3A_292 = arith.constant 0 : i32
      %dma_wait3A_293 = tpu.memref_slice %arg11[%dma_wait3A_291, %dma_wait3A_292] : memref<10000x128xf32, #tpu.memory_space<vmem_shared>> -> memref<10000x128xf32, #tpu.memory_space<vmem_shared>>
      tpu.wait_indirect_dma semaphore(%arg17 : memref<!tpu.dma_semaphore, #tpu.memory_space<semaphore_mem>>) src(%arg10 : memref<128x128xf32, #tpu.memory_space<vmem>>) dst(%dma_wait3A_293 : memref<10000x128xf32, #tpu.memory_space<vmem_shared>>)
      %add3A_294 = arith.addi %mul3A_7, %add3A_272 : i32
      %add3A_295 = arith.constant 2 : i32
      %add3A_296 = arith.addi %add3A_294, %add3A_295 : i32
      "tpu.region"() ({
        %run_scoped3A = tpu.sem_alloc : memref<!tpu.dma_semaphore, #tpu.memory_space<semaphore_mem>>
        %dma_start3A_337 = arith.constant 0 : i32
        %dma_start3A_338 = arith.constant 0 : i32
        %dma_start3A_339 = tpu.memref_slice %arg2[%add3A_296, %dma_start3A_337, %dma_start3A_338] : memref<2500x2x128xi32, #tpu.memory_space<hbm>> -> memref<1x2x128xi32, #tpu.memory_space<hbm>>
        %dma_start3A_340 = tpu.memref_squeeze %dma_start3A_339 : memref<1x2x128xi32, #tpu.memory_space<hbm>> -> memref<2x128xi32, #tpu.memory_space<hbm>>
        %dma_start3A_341 = arith.constant 0 : i32
        %dma_start3A_342 = arith.constant 0 : i32
        %dma_start3A_343 = tpu.memref_slice %arg2[%add3A_296, %dma_start3A_341, %dma_start3A_342] : memref<2500x2x128xi32, #tpu.memory_space<hbm>> -> memref<1x2x128xi32, #tpu.memory_space<hbm>>
        %dma_start3A_344 = tpu.memref_squeeze %dma_start3A_343 : memref<1x2x128xi32, #tpu.memory_space<hbm>> -> memref<2x128xi32, #tpu.memory_space<hbm>>
        tpu.enqueue_dma source(%dma_start3A_344 : memref<2x128xi32, #tpu.memory_space<hbm>>) target(%arg7 : memref<2x128xi32, #tpu.memory_space<vmem>>) target_semaphore(%run_scoped3A : memref<!tpu.dma_semaphore, #tpu.memory_space<semaphore_mem>>)
        %dma_wait3A_345 = arith.constant 0 : i32
        %dma_wait3A_346 = arith.constant 0 : i32
        %dma_wait3A_347 = tpu.memref_slice %arg2[%add3A_296, %dma_wait3A_345, %dma_wait3A_346] : memref<2500x2x128xi32, #tpu.memory_space<hbm>> -> memref<1x2x128xi32, #tpu.memory_space<hbm>>
        %dma_wait3A_348 = tpu.memref_squeeze %dma_wait3A_347 : memref<1x2x128xi32, #tpu.memory_space<hbm>> -> memref<2x128xi32, #tpu.memory_space<hbm>>
        %dma_wait3A_349 = arith.constant 0 : i32
        %dma_wait3A_350 = arith.constant 0 : i32
        %dma_wait3A_351 = tpu.memref_slice %arg2[%add3A_296, %dma_wait3A_349, %dma_wait3A_350] : memref<2500x2x128xi32, #tpu.memory_space<hbm>> -> memref<1x2x128xi32, #tpu.memory_space<hbm>>
        %dma_wait3A_352 = tpu.memref_squeeze %dma_wait3A_351 : memref<1x2x128xi32, #tpu.memory_space<hbm>> -> memref<2x128xi32, #tpu.memory_space<hbm>>
        tpu.wait_dma2 semaphore(%run_scoped3A : memref<!tpu.dma_semaphore, #tpu.memory_space<semaphore_mem>>) src(%dma_wait3A_352 : memref<2x128xi32, #tpu.memory_space<hbm>>) dst(%arg7 : memref<2x128xi32, #tpu.memory_space<vmem>>)
        tpu.yield
      }) : () -> ()
      %dma_start3A_297 = arith.constant 0 : i32
      %dma_start3A_298 = arith.constant 0 : i32
      %dma_start3A_299 = tpu.memref_slice %arg7[%dma_start3A_297, %dma_start3A_298] : memref<2x128xi32, #tpu.memory_space<vmem>> -> memref<1x128xi32, #tpu.memory_space<vmem>>
      %dma_start3A_300 = tpu.memref_squeeze %dma_start3A_299 : memref<1x128xi32, #tpu.memory_space<vmem>> -> memref<128xi32, #tpu.memory_space<vmem>>
      %dma_start3A_301 = arith.constant 0 : i32
      %dma_start3A_302 = arith.constant 0 : i32
      %dma_start3A_303 = tpu.memref_slice %arg3[%dma_start3A_301, %dma_start3A_302] : memref<10000x128xf32, #tpu.memory_space<hbm>> -> memref<10000x128xf32, #tpu.memory_space<hbm>>
      tpu.enqueue_indirect_dma source(%dma_start3A_303 : memref<10000x128xf32, #tpu.memory_space<hbm>>) target(%arg10 : memref<128x128xf32, #tpu.memory_space<vmem>>) offsets(%dma_start3A_300 : memref<128xi32, #tpu.memory_space<vmem>>) semaphore(%arg14 : memref<!tpu.dma_semaphore, #tpu.memory_space<semaphore_mem>>)
      %add3A_304 = arith.constant 2 : i32
      %add3A_305 = arith.addi %add3A_237, %add3A_304 : i32
      %dma_wait3A_306 = arith.constant 0 : i32
      %dma_wait3A_307 = arith.constant 0 : i32
      %dma_wait3A_308 = tpu.memref_slice %arg6[%dma_wait3A_306, %dma_wait3A_307] : memref<2x128xi32, #tpu.memory_space<vmem>> -> memref<1x128xi32, #tpu.memory_space<vmem>>
      %dma_wait3A_309 = tpu.memref_squeeze %dma_wait3A_308 : memref<1x128xi32, #tpu.memory_space<vmem>> -> memref<128xi32, #tpu.memory_space<vmem>>
      %dma_wait3A_310 = arith.constant 0 : i32
      %dma_wait3A_311 = arith.constant 0 : i32
      %dma_wait3A_312 = tpu.memref_slice %arg3[%dma_wait3A_310, %dma_wait3A_311] : memref<10000x128xf32, #tpu.memory_space<hbm>> -> memref<10000x128xf32, #tpu.memory_space<hbm>>
      tpu.wait_indirect_dma semaphore(%arg13 : memref<!tpu.dma_semaphore, #tpu.memory_space<semaphore_mem>>) src(%dma_wait3A_312 : memref<10000x128xf32, #tpu.memory_space<hbm>>) dst(%arg9 : memref<128x128xf32, #tpu.memory_space<vmem>>)
      %dma_start3A_313 = arith.constant 1 : i32
      %dma_start3A_314 = arith.constant 0 : i32
      %dma_start3A_315 = tpu.memref_slice %arg6[%dma_start3A_313, %dma_start3A_314] : memref<2x128xi32, #tpu.memory_space<vmem>> -> memref<1x128xi32, #tpu.memory_space<vmem>>
      %dma_start3A_316 = tpu.memref_squeeze %dma_start3A_315 : memref<1x128xi32, #tpu.memory_space<vmem>> -> memref<128xi32, #tpu.memory_space<vmem>>
      %dma_start3A_317 = arith.constant 0 : i32
      %dma_start3A_318 = arith.constant 0 : i32
      %dma_start3A_319 = tpu.memref_slice %arg11[%dma_start3A_317, %dma_start3A_318] : memref<10000x128xf32, #tpu.memory_space<vmem_shared>> -> memref<10000x128xf32, #tpu.memory_space<vmem_shared>>
      tpu.enqueue_indirect_dma source(%arg9 : memref<128x128xf32, #tpu.memory_space<vmem>>) target(%dma_start3A_319 : memref<10000x128xf32, #tpu.memory_space<vmem_shared>>) offsets(%dma_start3A_316 : memref<128xi32, #tpu.memory_space<vmem>>) semaphore(%arg16 : memref<!tpu.dma_semaphore, #tpu.memory_space<semaphore_mem>>) {add = true}
      %dma_wait3A_320 = arith.constant 1 : i32
      %dma_wait3A_321 = arith.constant 0 : i32
      %dma_wait3A_322 = tpu.memref_slice %arg5[%dma_wait3A_320, %dma_wait3A_321] : memref<2x128xi32, #tpu.memory_space<vmem>> -> memref<1x128xi32, #tpu.memory_space<vmem>>
      %dma_wait3A_323 = tpu.memref_squeeze %dma_wait3A_322 : memref<1x128xi32, #tpu.memory_space<vmem>> -> memref<128xi32, #tpu.memory_space<vmem>>
      %dma_wait3A_324 = arith.constant 0 : i32
      %dma_wait3A_325 = arith.constant 0 : i32
      %dma_wait3A_326 = tpu.memref_slice %arg11[%dma_wait3A_324, %dma_wait3A_325] : memref<10000x128xf32, #tpu.memory_space<vmem_shared>> -> memref<10000x128xf32, #tpu.memory_space<vmem_shared>>
      tpu.wait_indirect_dma semaphore(%arg15 : memref<!tpu.dma_semaphore, #tpu.memory_space<semaphore_mem>>) src(%arg8 : memref<128x128xf32, #tpu.memory_space<vmem>>) dst(%dma_wait3A_326 : memref<10000x128xf32, #tpu.memory_space<vmem_shared>>)
      %add3A_327 = arith.addi %mul3A_7, %add3A_305 : i32
      %add3A_328 = arith.constant 2 : i32
      %add3A_329 = arith.addi %add3A_327, %add3A_328 : i32
      "tpu.region"() ({
        %run_scoped3A = tpu.sem_alloc : memref<!tpu.dma_semaphore, #tpu.memory_space<semaphore_mem>>
        %dma_start3A_337 = arith.constant 0 : i32
        %dma_start3A_338 = arith.constant 0 : i32
        %dma_start3A_339 = tpu.memref_slice %arg2[%add3A_329, %dma_start3A_337, %dma_start3A_338] : memref<2500x2x128xi32, #tpu.memory_space<hbm>> -> memref<1x2x128xi32, #tpu.memory_space<hbm>>
        %dma_start3A_340 = tpu.memref_squeeze %dma_start3A_339 : memref<1x2x128xi32, #tpu.memory_space<hbm>> -> memref<2x128xi32, #tpu.memory_space<hbm>>
        %dma_start3A_341 = arith.constant 0 : i32
        %dma_start3A_342 = arith.constant 0 : i32
        %dma_start3A_343 = tpu.memref_slice %arg2[%add3A_329, %dma_start3A_341, %dma_start3A_342] : memref<2500x2x128xi32, #tpu.memory_space<hbm>> -> memref<1x2x128xi32, #tpu.memory_space<hbm>>
        %dma_start3A_344 = tpu.memref_squeeze %dma_start3A_343 : memref<1x2x128xi32, #tpu.memory_space<hbm>> -> memref<2x128xi32, #tpu.memory_space<hbm>>
        tpu.enqueue_dma source(%dma_start3A_344 : memref<2x128xi32, #tpu.memory_space<hbm>>) target(%arg5 : memref<2x128xi32, #tpu.memory_space<vmem>>) target_semaphore(%run_scoped3A : memref<!tpu.dma_semaphore, #tpu.memory_space<semaphore_mem>>)
        %dma_wait3A_345 = arith.constant 0 : i32
        %dma_wait3A_346 = arith.constant 0 : i32
        %dma_wait3A_347 = tpu.memref_slice %arg2[%add3A_329, %dma_wait3A_345, %dma_wait3A_346] : memref<2500x2x128xi32, #tpu.memory_space<hbm>> -> memref<1x2x128xi32, #tpu.memory_space<hbm>>
        %dma_wait3A_348 = tpu.memref_squeeze %dma_wait3A_347 : memref<1x2x128xi32, #tpu.memory_space<hbm>> -> memref<2x128xi32, #tpu.memory_space<hbm>>
        %dma_wait3A_349 = arith.constant 0 : i32
        %dma_wait3A_350 = arith.constant 0 : i32
        %dma_wait3A_351 = tpu.memref_slice %arg2[%add3A_329, %dma_wait3A_349, %dma_wait3A_350] : memref<2500x2x128xi32, #tpu.memory_space<hbm>> -> memref<1x2x128xi32, #tpu.memory_space<hbm>>
        %dma_wait3A_352 = tpu.memref_squeeze %dma_wait3A_351 : memref<1x2x128xi32, #tpu.memory_space<hbm>> -> memref<2x128xi32, #tpu.memory_space<hbm>>
        tpu.wait_dma2 semaphore(%run_scoped3A : memref<!tpu.dma_semaphore, #tpu.memory_space<semaphore_mem>>) src(%dma_wait3A_352 : memref<2x128xi32, #tpu.memory_space<hbm>>) dst(%arg5 : memref<2x128xi32, #tpu.memory_space<vmem>>)
        tpu.yield
      }) : () -> ()
      %dma_start3A_330 = arith.constant 0 : i32
      %dma_start3A_331 = arith.constant 0 : i32
      %dma_start3A_332 = tpu.memref_slice %arg5[%dma_start3A_330, %dma_start3A_331] : memref<2x128xi32, #tpu.memory_space<vmem>> -> memref<1x128xi32, #tpu.memory_space<vmem>>
      %dma_start3A_333 = tpu.memref_squeeze %dma_start3A_332 : memref<1x128xi32, #tpu.memory_space<vmem>> -> memref<128xi32, #tpu.memory_space<vmem>>
      %dma_start3A_334 = arith.constant 0 : i32
      %dma_start3A_335 = arith.constant 0 : i32
      %dma_start3A_336 = tpu.memref_slice %arg3[%dma_start3A_334, %dma_start3A_335] : memref<10000x128xf32, #tpu.memory_space<hbm>> -> memref<10000x128xf32, #tpu.memory_space<hbm>>
      tpu.enqueue_indirect_dma source(%dma_start3A_336 : memref<10000x128xf32, #tpu.memory_space<hbm>>) target(%arg8 : memref<128x128xf32, #tpu.memory_space<vmem>>) offsets(%dma_start3A_333 : memref<128xi32, #tpu.memory_space<vmem>>) semaphore(%arg12 : memref<!tpu.dma_semaphore, #tpu.memory_space<semaphore_mem>>)
    }
    %scan3A_105 = arith.constant 24 : i32
    %dma_wait3A_106 = arith.constant 0 : i32
    %dma_wait3A_107 = arith.constant 0 : i32
    %dma_wait3A_108 = tpu.memref_slice %arg7[%dma_wait3A_106, %dma_wait3A_107] : memref<2x128xi32, #tpu.memory_space<vmem>> -> memref<1x128xi32, #tpu.memory_space<vmem>>
    %dma_wait3A_109 = tpu.memref_squeeze %dma_wait3A_108 : memref<1x128xi32, #tpu.memory_space<vmem>> -> memref<128xi32, #tpu.memory_space<vmem>>
    %dma_wait3A_110 = arith.constant 0 : i32
    %dma_wait3A_111 = arith.constant 0 : i32
    %dma_wait3A_112 = tpu.memref_slice %arg3[%dma_wait3A_110, %dma_wait3A_111] : memref<10000x128xf32, #tpu.memory_space<hbm>> -> memref<10000x128xf32, #tpu.memory_space<hbm>>
    tpu.wait_indirect_dma semaphore(%arg14 : memref<!tpu.dma_semaphore, #tpu.memory_space<semaphore_mem>>) src(%dma_wait3A_112 : memref<10000x128xf32, #tpu.memory_space<hbm>>) dst(%arg10 : memref<128x128xf32, #tpu.memory_space<vmem>>)
    %dma_start3A_113 = arith.constant 1 : i32
    %dma_start3A_114 = arith.constant 0 : i32
    %dma_start3A_115 = tpu.memref_slice %arg7[%dma_start3A_113, %dma_start3A_114] : memref<2x128xi32, #tpu.memory_space<vmem>> -> memref<1x128xi32, #tpu.memory_space<vmem>>
    %dma_start3A_116 = tpu.memref_squeeze %dma_start3A_115 : memref<1x128xi32, #tpu.memory_space<vmem>> -> memref<128xi32, #tpu.memory_space<vmem>>
    %dma_start3A_117 = arith.constant 0 : i32
    %dma_start3A_118 = arith.constant 0 : i32
    %dma_start3A_119 = tpu.memref_slice %arg11[%dma_start3A_117, %dma_start3A_118] : memref<10000x128xf32, #tpu.memory_space<vmem_shared>> -> memref<10000x128xf32, #tpu.memory_space<vmem_shared>>
    tpu.enqueue_indirect_dma source(%arg10 : memref<128x128xf32, #tpu.memory_space<vmem>>) target(%dma_start3A_119 : memref<10000x128xf32, #tpu.memory_space<vmem_shared>>) offsets(%dma_start3A_116 : memref<128xi32, #tpu.memory_space<vmem>>) semaphore(%arg17 : memref<!tpu.dma_semaphore, #tpu.memory_space<semaphore_mem>>) {add = true}
    %dma_wait3A_120 = arith.constant 1 : i32
    %dma_wait3A_121 = arith.constant 0 : i32
    %dma_wait3A_122 = tpu.memref_slice %arg6[%dma_wait3A_120, %dma_wait3A_121] : memref<2x128xi32, #tpu.memory_space<vmem>> -> memref<1x128xi32, #tpu.memory_space<vmem>>
    %dma_wait3A_123 = tpu.memref_squeeze %dma_wait3A_122 : memref<1x128xi32, #tpu.memory_space<vmem>> -> memref<128xi32, #tpu.memory_space<vmem>>
    %dma_wait3A_124 = arith.constant 0 : i32
    %dma_wait3A_125 = arith.constant 0 : i32
    %dma_wait3A_126 = tpu.memref_slice %arg11[%dma_wait3A_124, %dma_wait3A_125] : memref<10000x128xf32, #tpu.memory_space<vmem_shared>> -> memref<10000x128xf32, #tpu.memory_space<vmem_shared>>
    tpu.wait_indirect_dma semaphore(%arg16 : memref<!tpu.dma_semaphore, #tpu.memory_space<semaphore_mem>>) src(%arg9 : memref<128x128xf32, #tpu.memory_space<vmem>>) dst(%dma_wait3A_126 : memref<10000x128xf32, #tpu.memory_space<vmem_shared>>)
    %add3A_127 = arith.constant 74 : i32
    %add3A_128 = arith.addi %mul3A_7, %add3A_127 : i32
    %add3A_129 = arith.constant 2 : i32
    %add3A_130 = arith.addi %add3A_128, %add3A_129 : i32
    "tpu.region"() ({
      %run_scoped3A = tpu.sem_alloc : memref<!tpu.dma_semaphore, #tpu.memory_space<semaphore_mem>>
      %dma_start3A_233 = arith.constant 0 : i32
      %dma_start3A_234 = arith.constant 0 : i32
      %dma_start3A_235 = tpu.memref_slice %arg2[%add3A_130, %dma_start3A_233, %dma_start3A_234] : memref<2500x2x128xi32, #tpu.memory_space<hbm>> -> memref<1x2x128xi32, #tpu.memory_space<hbm>>
      %dma_start3A_236 = tpu.memref_squeeze %dma_start3A_235 : memref<1x2x128xi32, #tpu.memory_space<hbm>> -> memref<2x128xi32, #tpu.memory_space<hbm>>
      %dma_start3A_237 = arith.constant 0 : i32
      %dma_start3A_238 = arith.constant 0 : i32
      %dma_start3A_239 = tpu.memref_slice %arg2[%add3A_130, %dma_start3A_237, %dma_start3A_238] : memref<2500x2x128xi32, #tpu.memory_space<hbm>> -> memref<1x2x128xi32, #tpu.memory_space<hbm>>
      %dma_start3A_240 = tpu.memref_squeeze %dma_start3A_239 : memref<1x2x128xi32, #tpu.memory_space<hbm>> -> memref<2x128xi32, #tpu.memory_space<hbm>>
      tpu.enqueue_dma source(%dma_start3A_240 : memref<2x128xi32, #tpu.memory_space<hbm>>) target(%arg6 : memref<2x128xi32, #tpu.memory_space<vmem>>) target_semaphore(%run_scoped3A : memref<!tpu.dma_semaphore, #tpu.memory_space<semaphore_mem>>)
      %dma_wait3A_241 = arith.constant 0 : i32
      %dma_wait3A_242 = arith.constant 0 : i32
      %dma_wait3A_243 = tpu.memref_slice %arg2[%add3A_130, %dma_wait3A_241, %dma_wait3A_242] : memref<2500x2x128xi32, #tpu.memory_space<hbm>> -> memref<1x2x128xi32, #tpu.memory_space<hbm>>
      %dma_wait3A_244 = tpu.memref_squeeze %dma_wait3A_243 : memref<1x2x128xi32, #tpu.memory_space<hbm>> -> memref<2x128xi32, #tpu.memory_space<hbm>>
      %dma_wait3A_245 = arith.constant 0 : i32
      %dma_wait3A_246 = arith.constant 0 : i32
      %dma_wait3A_247 = tpu.memref_slice %arg2[%add3A_130, %dma_wait3A_245, %dma_wait3A_246] : memref<2500x2x128xi32, #tpu.memory_space<hbm>> -> memref<1x2x128xi32, #tpu.memory_space<hbm>>
      %dma_wait3A_248 = tpu.memref_squeeze %dma_wait3A_247 : memref<1x2x128xi32, #tpu.memory_space<hbm>> -> memref<2x128xi32, #tpu.memory_space<hbm>>
      tpu.wait_dma2 semaphore(%run_scoped3A : memref<!tpu.dma_semaphore, #tpu.memory_space<semaphore_mem>>) src(%dma_wait3A_248 : memref<2x128xi32, #tpu.memory_space<hbm>>) dst(%arg6 : memref<2x128xi32, #tpu.memory_space<vmem>>)
      tpu.yield
    }) : () -> ()
    %dma_start3A_131 = arith.constant 0 : i32
    %dma_start3A_132 = arith.constant 0 : i32
    %dma_start3A_133 = tpu.memref_slice %arg6[%dma_start3A_131, %dma_start3A_132] : memref<2x128xi32, #tpu.memory_space<vmem>> -> memref<1x128xi32, #tpu.memory_space<vmem>>
    %dma_start3A_134 = tpu.memref_squeeze %dma_start3A_133 : memref<1x128xi32, #tpu.memory_space<vmem>> -> memref<128xi32, #tpu.memory_space<vmem>>
    %dma_start3A_135 = arith.constant 0 : i32
    %dma_start3A_136 = arith.constant 0 : i32
    %dma_start3A_137 = tpu.memref_slice %arg3[%dma_start3A_135, %dma_start3A_136] : memref<10000x128xf32, #tpu.memory_space<hbm>> -> memref<10000x128xf32, #tpu.memory_space<hbm>>
    tpu.enqueue_indirect_dma source(%dma_start3A_137 : memref<10000x128xf32, #tpu.memory_space<hbm>>) target(%arg9 : memref<128x128xf32, #tpu.memory_space<vmem>>) offsets(%dma_start3A_134 : memref<128xi32, #tpu.memory_space<vmem>>) semaphore(%arg13 : memref<!tpu.dma_semaphore, #tpu.memory_space<semaphore_mem>>)
    %dma_wait3A_138 = arith.constant 0 : i32
    %dma_wait3A_139 = arith.constant 0 : i32
    %dma_wait3A_140 = tpu.memref_slice %arg5[%dma_wait3A_138, %dma_wait3A_139] : memref<2x128xi32, #tpu.memory_space<vmem>> -> memref<1x128xi32, #tpu.memory_space<vmem>>
    %dma_wait3A_141 = tpu.memref_squeeze %dma_wait3A_140 : memref<1x128xi32, #tpu.memory_space<vmem>> -> memref<128xi32, #tpu.memory_space<vmem>>
    %dma_wait3A_142 = arith.constant 0 : i32
    %dma_wait3A_143 = arith.constant 0 : i32
    %dma_wait3A_144 = tpu.memref_slice %arg3[%dma_wait3A_142, %dma_wait3A_143] : memref<10000x128xf32, #tpu.memory_space<hbm>> -> memref<10000x128xf32, #tpu.memory_space<hbm>>
    tpu.wait_indirect_dma semaphore(%arg12 : memref<!tpu.dma_semaphore, #tpu.memory_space<semaphore_mem>>) src(%dma_wait3A_144 : memref<10000x128xf32, #tpu.memory_space<hbm>>) dst(%arg8 : memref<128x128xf32, #tpu.memory_space<vmem>>)
    %dma_start3A_145 = arith.constant 1 : i32
    %dma_start3A_146 = arith.constant 0 : i32
    %dma_start3A_147 = tpu.memref_slice %arg5[%dma_start3A_145, %dma_start3A_146] : memref<2x128xi32, #tpu.memory_space<vmem>> -> memref<1x128xi32, #tpu.memory_space<vmem>>
    %dma_start3A_148 = tpu.memref_squeeze %dma_start3A_147 : memref<1x128xi32, #tpu.memory_space<vmem>> -> memref<128xi32, #tpu.memory_space<vmem>>
    %dma_start3A_149 = arith.constant 0 : i32
    %dma_start3A_150 = arith.constant 0 : i32
    %dma_start3A_151 = tpu.memref_slice %arg11[%dma_start3A_149, %dma_start3A_150] : memref<10000x128xf32, #tpu.memory_space<vmem_shared>> -> memref<10000x128xf32, #tpu.memory_space<vmem_shared>>
    tpu.enqueue_indirect_dma source(%arg8 : memref<128x128xf32, #tpu.memory_space<vmem>>) target(%dma_start3A_151 : memref<10000x128xf32, #tpu.memory_space<vmem_shared>>) offsets(%dma_start3A_148 : memref<128xi32, #tpu.memory_space<vmem>>) semaphore(%arg15 : memref<!tpu.dma_semaphore, #tpu.memory_space<semaphore_mem>>) {add = true}
    %dma_wait3A_152 = arith.constant 1 : i32
    %dma_wait3A_153 = arith.constant 0 : i32
    %dma_wait3A_154 = tpu.memref_slice %arg7[%dma_wait3A_152, %dma_wait3A_153] : memref<2x128xi32, #tpu.memory_space<vmem>> -> memref<1x128xi32, #tpu.memory_space<vmem>>
    %dma_wait3A_155 = tpu.memref_squeeze %dma_wait3A_154 : memref<1x128xi32, #tpu.memory_space<vmem>> -> memref<128xi32, #tpu.memory_space<vmem>>
    %dma_wait3A_156 = arith.constant 0 : i32
    %dma_wait3A_157 = arith.constant 0 : i32
    %dma_wait3A_158 = tpu.memref_slice %arg11[%dma_wait3A_156, %dma_wait3A_157] : memref<10000x128xf32, #tpu.memory_space<vmem_shared>> -> memref<10000x128xf32, #tpu.memory_space<vmem_shared>>
    tpu.wait_indirect_dma semaphore(%arg17 : memref<!tpu.dma_semaphore, #tpu.memory_space<semaphore_mem>>) src(%arg10 : memref<128x128xf32, #tpu.memory_space<vmem>>) dst(%dma_wait3A_158 : memref<10000x128xf32, #tpu.memory_space<vmem_shared>>)
    %add3A_159 = arith.constant 75 : i32
    %add3A_160 = arith.addi %mul3A_7, %add3A_159 : i32
    %add3A_161 = arith.constant 2 : i32
    %add3A_162 = arith.addi %add3A_160, %add3A_161 : i32
    "tpu.region"() ({
      %run_scoped3A = tpu.sem_alloc : memref<!tpu.dma_semaphore, #tpu.memory_space<semaphore_mem>>
      %dma_start3A_233 = arith.constant 0 : i32
      %dma_start3A_234 = arith.constant 0 : i32
      %dma_start3A_235 = tpu.memref_slice %arg2[%add3A_162, %dma_start3A_233, %dma_start3A_234] : memref<2500x2x128xi32, #tpu.memory_space<hbm>> -> memref<1x2x128xi32, #tpu.memory_space<hbm>>
      %dma_start3A_236 = tpu.memref_squeeze %dma_start3A_235 : memref<1x2x128xi32, #tpu.memory_space<hbm>> -> memref<2x128xi32, #tpu.memory_space<hbm>>
      %dma_start3A_237 = arith.constant 0 : i32
      %dma_start3A_238 = arith.constant 0 : i32
      %dma_start3A_239 = tpu.memref_slice %arg2[%add3A_162, %dma_start3A_237, %dma_start3A_238] : memref<2500x2x128xi32, #tpu.memory_space<hbm>> -> memref<1x2x128xi32, #tpu.memory_space<hbm>>
      %dma_start3A_240 = tpu.memref_squeeze %dma_start3A_239 : memref<1x2x128xi32, #tpu.memory_space<hbm>> -> memref<2x128xi32, #tpu.memory_space<hbm>>
      tpu.enqueue_dma source(%dma_start3A_240 : memref<2x128xi32, #tpu.memory_space<hbm>>) target(%arg7 : memref<2x128xi32, #tpu.memory_space<vmem>>) target_semaphore(%run_scoped3A : memref<!tpu.dma_semaphore, #tpu.memory_space<semaphore_mem>>)
      %dma_wait3A_241 = arith.constant 0 : i32
      %dma_wait3A_242 = arith.constant 0 : i32
      %dma_wait3A_243 = tpu.memref_slice %arg2[%add3A_162, %dma_wait3A_241, %dma_wait3A_242] : memref<2500x2x128xi32, #tpu.memory_space<hbm>> -> memref<1x2x128xi32, #tpu.memory_space<hbm>>
      %dma_wait3A_244 = tpu.memref_squeeze %dma_wait3A_243 : memref<1x2x128xi32, #tpu.memory_space<hbm>> -> memref<2x128xi32, #tpu.memory_space<hbm>>
      %dma_wait3A_245 = arith.constant 0 : i32
      %dma_wait3A_246 = arith.constant 0 : i32
      %dma_wait3A_247 = tpu.memref_slice %arg2[%add3A_162, %dma_wait3A_245, %dma_wait3A_246] : memref<2500x2x128xi32, #tpu.memory_space<hbm>> -> memref<1x2x128xi32, #tpu.memory_space<hbm>>
      %dma_wait3A_248 = tpu.memref_squeeze %dma_wait3A_247 : memref<1x2x128xi32, #tpu.memory_space<hbm>> -> memref<2x128xi32, #tpu.memory_space<hbm>>
      tpu.wait_dma2 semaphore(%run_scoped3A : memref<!tpu.dma_semaphore, #tpu.memory_space<semaphore_mem>>) src(%dma_wait3A_248 : memref<2x128xi32, #tpu.memory_space<hbm>>) dst(%arg7 : memref<2x128xi32, #tpu.memory_space<vmem>>)
      tpu.yield
    }) : () -> ()
    %dma_start3A_163 = arith.constant 0 : i32
    %dma_start3A_164 = arith.constant 0 : i32
    %dma_start3A_165 = tpu.memref_slice %arg7[%dma_start3A_163, %dma_start3A_164] : memref<2x128xi32, #tpu.memory_space<vmem>> -> memref<1x128xi32, #tpu.memory_space<vmem>>
    %dma_start3A_166 = tpu.memref_squeeze %dma_start3A_165 : memref<1x128xi32, #tpu.memory_space<vmem>> -> memref<128xi32, #tpu.memory_space<vmem>>
    %dma_start3A_167 = arith.constant 0 : i32
    %dma_start3A_168 = arith.constant 0 : i32
    %dma_start3A_169 = tpu.memref_slice %arg3[%dma_start3A_167, %dma_start3A_168] : memref<10000x128xf32, #tpu.memory_space<hbm>> -> memref<10000x128xf32, #tpu.memory_space<hbm>>
    tpu.enqueue_indirect_dma source(%dma_start3A_169 : memref<10000x128xf32, #tpu.memory_space<hbm>>) target(%arg10 : memref<128x128xf32, #tpu.memory_space<vmem>>) offsets(%dma_start3A_166 : memref<128xi32, #tpu.memory_space<vmem>>) semaphore(%arg14 : memref<!tpu.dma_semaphore, #tpu.memory_space<semaphore_mem>>)
    %dma_wait3A_170 = arith.constant 0 : i32
    %dma_wait3A_171 = arith.constant 0 : i32
    %dma_wait3A_172 = tpu.memref_slice %arg6[%dma_wait3A_170, %dma_wait3A_171] : memref<2x128xi32, #tpu.memory_space<vmem>> -> memref<1x128xi32, #tpu.memory_space<vmem>>
    %dma_wait3A_173 = tpu.memref_squeeze %dma_wait3A_172 : memref<1x128xi32, #tpu.memory_space<vmem>> -> memref<128xi32, #tpu.memory_space<vmem>>
    %dma_wait3A_174 = arith.constant 0 : i32
    %dma_wait3A_175 = arith.constant 0 : i32
    %dma_wait3A_176 = tpu.memref_slice %arg3[%dma_wait3A_174, %dma_wait3A_175] : memref<10000x128xf32, #tpu.memory_space<hbm>> -> memref<10000x128xf32, #tpu.memory_space<hbm>>
    tpu.wait_indirect_dma semaphore(%arg13 : memref<!tpu.dma_semaphore, #tpu.memory_space<semaphore_mem>>) src(%dma_wait3A_176 : memref<10000x128xf32, #tpu.memory_space<hbm>>) dst(%arg9 : memref<128x128xf32, #tpu.memory_space<vmem>>)
    %dma_start3A_177 = arith.constant 1 : i32
    %dma_start3A_178 = arith.constant 0 : i32
    %dma_start3A_179 = tpu.memref_slice %arg6[%dma_start3A_177, %dma_start3A_178] : memref<2x128xi32, #tpu.memory_space<vmem>> -> memref<1x128xi32, #tpu.memory_space<vmem>>
    %dma_start3A_180 = tpu.memref_squeeze %dma_start3A_179 : memref<1x128xi32, #tpu.memory_space<vmem>> -> memref<128xi32, #tpu.memory_space<vmem>>
    %dma_start3A_181 = arith.constant 0 : i32
    %dma_start3A_182 = arith.constant 0 : i32
    %dma_start3A_183 = tpu.memref_slice %arg11[%dma_start3A_181, %dma_start3A_182] : memref<10000x128xf32, #tpu.memory_space<vmem_shared>> -> memref<10000x128xf32, #tpu.memory_space<vmem_shared>>
    tpu.enqueue_indirect_dma source(%arg9 : memref<128x128xf32, #tpu.memory_space<vmem>>) target(%dma_start3A_183 : memref<10000x128xf32, #tpu.memory_space<vmem_shared>>) offsets(%dma_start3A_180 : memref<128xi32, #tpu.memory_space<vmem>>) semaphore(%arg16 : memref<!tpu.dma_semaphore, #tpu.memory_space<semaphore_mem>>) {add = true}
    %dma_wait3A_184 = arith.constant 1 : i32
    %dma_wait3A_185 = arith.constant 0 : i32
    %dma_wait3A_186 = tpu.memref_slice %arg5[%dma_wait3A_184, %dma_wait3A_185] : memref<2x128xi32, #tpu.memory_space<vmem>> -> memref<1x128xi32, #tpu.memory_space<vmem>>
    %dma_wait3A_187 = tpu.memref_squeeze %dma_wait3A_186 : memref<1x128xi32, #tpu.memory_space<vmem>> -> memref<128xi32, #tpu.memory_space<vmem>>
    %dma_wait3A_188 = arith.constant 0 : i32
    %dma_wait3A_189 = arith.constant 0 : i32
    %dma_wait3A_190 = tpu.memref_slice %arg11[%dma_wait3A_188, %dma_wait3A_189] : memref<10000x128xf32, #tpu.memory_space<vmem_shared>> -> memref<10000x128xf32, #tpu.memory_space<vmem_shared>>
    tpu.wait_indirect_dma semaphore(%arg15 : memref<!tpu.dma_semaphore, #tpu.memory_space<semaphore_mem>>) src(%arg8 : memref<128x128xf32, #tpu.memory_space<vmem>>) dst(%dma_wait3A_190 : memref<10000x128xf32, #tpu.memory_space<vmem_shared>>)
    %dma_wait3A_191 = arith.constant 0 : i32
    %dma_wait3A_192 = arith.constant 0 : i32
    %dma_wait3A_193 = tpu.memref_slice %arg7[%dma_wait3A_191, %dma_wait3A_192] : memref<2x128xi32, #tpu.memory_space<vmem>> -> memref<1x128xi32, #tpu.memory_space<vmem>>
    %dma_wait3A_194 = tpu.memref_squeeze %dma_wait3A_193 : memref<1x128xi32, #tpu.memory_space<vmem>> -> memref<128xi32, #tpu.memory_space<vmem>>
    %dma_wait3A_195 = arith.constant 0 : i32
    %dma_wait3A_196 = arith.constant 0 : i32
    %dma_wait3A_197 = tpu.memref_slice %arg3[%dma_wait3A_195, %dma_wait3A_196] : memref<10000x128xf32, #tpu.memory_space<hbm>> -> memref<10000x128xf32, #tpu.memory_space<hbm>>
    tpu.wait_indirect_dma semaphore(%arg14 : memref<!tpu.dma_semaphore, #tpu.memory_space<semaphore_mem>>) src(%dma_wait3A_197 : memref<10000x128xf32, #tpu.memory_space<hbm>>) dst(%arg10 : memref<128x128xf32, #tpu.memory_space<vmem>>)
    %dma_start3A_198 = arith.constant 1 : i32
    %dma_start3A_199 = arith.constant 0 : i32
    %dma_start3A_200 = tpu.memref_slice %arg7[%dma_start3A_198, %dma_start3A_199] : memref<2x128xi32, #tpu.memory_space<vmem>> -> memref<1x128xi32, #tpu.memory_space<vmem>>
    %dma_start3A_201 = tpu.memref_squeeze %dma_start3A_200 : memref<1x128xi32, #tpu.memory_space<vmem>> -> memref<128xi32, #tpu.memory_space<vmem>>
    %dma_start3A_202 = arith.constant 0 : i32
    %dma_start3A_203 = arith.constant 0 : i32
    %dma_start3A_204 = tpu.memref_slice %arg11[%dma_start3A_202, %dma_start3A_203] : memref<10000x128xf32, #tpu.memory_space<vmem_shared>> -> memref<10000x128xf32, #tpu.memory_space<vmem_shared>>
    tpu.enqueue_indirect_dma source(%arg10 : memref<128x128xf32, #tpu.memory_space<vmem>>) target(%dma_start3A_204 : memref<10000x128xf32, #tpu.memory_space<vmem_shared>>) offsets(%dma_start3A_201 : memref<128xi32, #tpu.memory_space<vmem>>) semaphore(%arg17 : memref<!tpu.dma_semaphore, #tpu.memory_space<semaphore_mem>>) {add = true}
    %dma_wait3A_205 = arith.constant 1 : i32
    %dma_wait3A_206 = arith.constant 0 : i32
    %dma_wait3A_207 = tpu.memref_slice %arg6[%dma_wait3A_205, %dma_wait3A_206] : memref<2x128xi32, #tpu.memory_space<vmem>> -> memref<1x128xi32, #tpu.memory_space<vmem>>
    %dma_wait3A_208 = tpu.memref_squeeze %dma_wait3A_207 : memref<1x128xi32, #tpu.memory_space<vmem>> -> memref<128xi32, #tpu.memory_space<vmem>>
    %dma_wait3A_209 = arith.constant 0 : i32
    %dma_wait3A_210 = arith.constant 0 : i32
    %dma_wait3A_211 = tpu.memref_slice %arg11[%dma_wait3A_209, %dma_wait3A_210] : memref<10000x128xf32, #tpu.memory_space<vmem_shared>> -> memref<10000x128xf32, #tpu.memory_space<vmem_shared>>
    tpu.wait_indirect_dma semaphore(%arg16 : memref<!tpu.dma_semaphore, #tpu.memory_space<semaphore_mem>>) src(%arg9 : memref<128x128xf32, #tpu.memory_space<vmem>>) dst(%dma_wait3A_211 : memref<10000x128xf32, #tpu.memory_space<vmem_shared>>)
    %dma_wait3A_212 = arith.constant 1 : i32
    %dma_wait3A_213 = arith.constant 0 : i32
    %dma_wait3A_214 = tpu.memref_slice %arg7[%dma_wait3A_212, %dma_wait3A_213] : memref<2x128xi32, #tpu.memory_space<vmem>> -> memref<1x128xi32, #tpu.memory_space<vmem>>
    %dma_wait3A_215 = tpu.memref_squeeze %dma_wait3A_214 : memref<1x128xi32, #tpu.memory_space<vmem>> -> memref<128xi32, #tpu.memory_space<vmem>>
    %dma_wait3A_216 = arith.constant 0 : i32
    %dma_wait3A_217 = arith.constant 0 : i32
    %dma_wait3A_218 = tpu.memref_slice %arg11[%dma_wait3A_216, %dma_wait3A_217] : memref<10000x128xf32, #tpu.memory_space<vmem_shared>> -> memref<10000x128xf32, #tpu.memory_space<vmem_shared>>
    tpu.wait_indirect_dma semaphore(%arg17 : memref<!tpu.dma_semaphore, #tpu.memory_space<semaphore_mem>>) src(%arg10 : memref<128x128xf32, #tpu.memory_space<vmem>>) dst(%dma_wait3A_218 : memref<10000x128xf32, #tpu.memory_space<vmem_shared>>)
    %lt3A = arith.constant 4 : i32
    %lt3A_219 = arith.cmpi slt, %add3A, %lt3A : i32
    %convert_element_type3A_220 = arith.extui %lt3A_219 : i1 to i32
    %cond3A_221 = arith.constant 0 : i32
    %cond3A_222 = arith.cmpi ne, %convert_element_type3A_220, %cond3A_221 : i32
    scf.if %cond3A_222 {
      %add3A_233 = arith.constant 2496 : i32
      %add3A_234 = arith.addi %add3A_233, %add3A : i32
      "tpu.region"() ({
        %run_scoped3A_249 = tpu.sem_alloc : memref<!tpu.dma_semaphore, #tpu.memory_space<semaphore_mem>>
        %dma_start3A_250 = arith.constant 0 : i32
        %dma_start3A_251 = arith.constant 0 : i32
        %dma_start3A_252 = tpu.memref_slice %arg2[%add3A_234, %dma_start3A_250, %dma_start3A_251] : memref<2500x2x128xi32, #tpu.memory_space<hbm>> -> memref<1x2x128xi32, #tpu.memory_space<hbm>>
        %dma_start3A_253 = tpu.memref_squeeze %dma_start3A_252 : memref<1x2x128xi32, #tpu.memory_space<hbm>> -> memref<2x128xi32, #tpu.memory_space<hbm>>
        %dma_start3A_254 = arith.constant 0 : i32
        %dma_start3A_255 = arith.constant 0 : i32
        %dma_start3A_256 = tpu.memref_slice %arg2[%add3A_234, %dma_start3A_254, %dma_start3A_255] : memref<2500x2x128xi32, #tpu.memory_space<hbm>> -> memref<1x2x128xi32, #tpu.memory_space<hbm>>
        %dma_start3A_257 = tpu.memref_squeeze %dma_start3A_256 : memref<1x2x128xi32, #tpu.memory_space<hbm>> -> memref<2x128xi32, #tpu.memory_space<hbm>>
        tpu.enqueue_dma source(%dma_start3A_257 : memref<2x128xi32, #tpu.memory_space<hbm>>) target(%arg5 : memref<2x128xi32, #tpu.memory_space<vmem>>) target_semaphore(%run_scoped3A_249 : memref<!tpu.dma_semaphore, #tpu.memory_space<semaphore_mem>>)
        %dma_wait3A_258 = arith.constant 0 : i32
        %dma_wait3A_259 = arith.constant 0 : i32
        %dma_wait3A_260 = tpu.memref_slice %arg2[%add3A_234, %dma_wait3A_258, %dma_wait3A_259] : memref<2500x2x128xi32, #tpu.memory_space<hbm>> -> memref<1x2x128xi32, #tpu.memory_space<hbm>>
        %dma_wait3A_261 = tpu.memref_squeeze %dma_wait3A_260 : memref<1x2x128xi32, #tpu.memory_space<hbm>> -> memref<2x128xi32, #tpu.memory_space<hbm>>
        %dma_wait3A_262 = arith.constant 0 : i32
        %dma_wait3A_263 = arith.constant 0 : i32
        %dma_wait3A_264 = tpu.memref_slice %arg2[%add3A_234, %dma_wait3A_262, %dma_wait3A_263] : memref<2500x2x128xi32, #tpu.memory_space<hbm>> -> memref<1x2x128xi32, #tpu.memory_space<hbm>>
        %dma_wait3A_265 = tpu.memref_squeeze %dma_wait3A_264 : memref<1x2x128xi32, #tpu.memory_space<hbm>> -> memref<2x128xi32, #tpu.memory_space<hbm>>
        tpu.wait_dma2 semaphore(%run_scoped3A_249 : memref<!tpu.dma_semaphore, #tpu.memory_space<semaphore_mem>>) src(%dma_wait3A_265 : memref<2x128xi32, #tpu.memory_space<hbm>>) dst(%arg5 : memref<2x128xi32, #tpu.memory_space<vmem>>)
        tpu.yield
      }) : () -> ()
      %dma_start3A_235 = arith.constant 0 : i32
      %dma_start3A_236 = arith.constant 0 : i32
      %dma_start3A_237 = tpu.memref_slice %arg5[%dma_start3A_235, %dma_start3A_236] : memref<2x128xi32, #tpu.memory_space<vmem>> -> memref<1x128xi32, #tpu.memory_space<vmem>>
      %dma_start3A_238 = tpu.memref_squeeze %dma_start3A_237 : memref<1x128xi32, #tpu.memory_space<vmem>> -> memref<128xi32, #tpu.memory_space<vmem>>
      %dma_start3A_239 = arith.constant 0 : i32
      %dma_start3A_240 = arith.constant 0 : i32
      %dma_start3A_241 = tpu.memref_slice %arg3[%dma_start3A_239, %dma_start3A_240] : memref<10000x128xf32, #tpu.memory_space<hbm>> -> memref<10000x128xf32, #tpu.memory_space<hbm>>
      tpu.enqueue_indirect_dma source(%dma_start3A_241 : memref<10000x128xf32, #tpu.memory_space<hbm>>) target(%arg8 : memref<128x128xf32, #tpu.memory_space<vmem>>) offsets(%dma_start3A_238 : memref<128xi32, #tpu.memory_space<vmem>>) semaphore(%arg12 : memref<!tpu.dma_semaphore, #tpu.memory_space<semaphore_mem>>)
      %dma_wait3A_242 = arith.constant 0 : i32
      %dma_wait3A_243 = arith.constant 0 : i32
      %dma_wait3A_244 = tpu.memref_slice %arg5[%dma_wait3A_242, %dma_wait3A_243] : memref<2x128xi32, #tpu.memory_space<vmem>> -> memref<1x128xi32, #tpu.memory_space<vmem>>
      %dma_wait3A_245 = tpu.memref_squeeze %dma_wait3A_244 : memref<1x128xi32, #tpu.memory_space<vmem>> -> memref<128xi32, #tpu.memory_space<vmem>>
      %dma_wait3A_246 = arith.constant 0 : i32
      %dma_wait3A_247 = arith.constant 0 : i32
      %dma_wait3A_248 = tpu.memref_slice %arg3[%dma_wait3A_246, %dma_wait3A_247] : memref<10000x128xf32, #tpu.memory_space<hbm>> -> memref<10000x128xf32, #tpu.memory_space<hbm>>
      tpu.wait_indirect_dma semaphore(%arg12 : memref<!tpu.dma_semaphore, #tpu.memory_space<semaphore_mem>>) src(%dma_wait3A_248 : memref<10000x128xf32, #tpu.memory_space<hbm>>) dst(%arg8 : memref<128x128xf32, #tpu.memory_space<vmem>>)
      %run_scoped3A = arith.constant 1 : i32
      "tpu.region"() ({
        %run_scoped3A_249 = tpu.sem_alloc : memref<!tpu.dma_semaphore, #tpu.memory_space<semaphore_mem>>
        %dma_start3A_250 = arith.constant 0 : i32
        %dma_start3A_251 = tpu.memref_slice %arg5[%run_scoped3A, %dma_start3A_250] : memref<2x128xi32, #tpu.memory_space<vmem>> -> memref<1x128xi32, #tpu.memory_space<vmem>>
        %dma_start3A_252 = tpu.memref_squeeze %dma_start3A_251 : memref<1x128xi32, #tpu.memory_space<vmem>> -> memref<128xi32, #tpu.memory_space<vmem>>
        %dma_start3A_253 = arith.constant 0 : i32
        %dma_start3A_254 = arith.constant 0 : i32
        %dma_start3A_255 = tpu.memref_slice %arg11[%dma_start3A_253, %dma_start3A_254] : memref<10000x128xf32, #tpu.memory_space<vmem_shared>> -> memref<10000x128xf32, #tpu.memory_space<vmem_shared>>
        tpu.enqueue_indirect_dma source(%arg8 : memref<128x128xf32, #tpu.memory_space<vmem>>) target(%dma_start3A_255 : memref<10000x128xf32, #tpu.memory_space<vmem_shared>>) offsets(%dma_start3A_252 : memref<128xi32, #tpu.memory_space<vmem>>) semaphore(%run_scoped3A_249 : memref<!tpu.dma_semaphore, #tpu.memory_space<semaphore_mem>>) {add = true}
        %dma_wait3A_256 = arith.constant 0 : i32
        %dma_wait3A_257 = tpu.memref_slice %arg5[%run_scoped3A, %dma_wait3A_256] : memref<2x128xi32, #tpu.memory_space<vmem>> -> memref<1x128xi32, #tpu.memory_space<vmem>>
        %dma_wait3A_258 = tpu.memref_squeeze %dma_wait3A_257 : memref<1x128xi32, #tpu.memory_space<vmem>> -> memref<128xi32, #tpu.memory_space<vmem>>
        %dma_wait3A_259 = arith.constant 0 : i32
        %dma_wait3A_260 = arith.constant 0 : i32
        %dma_wait3A_261 = tpu.memref_slice %arg11[%dma_wait3A_259, %dma_wait3A_260] : memref<10000x128xf32, #tpu.memory_space<vmem_shared>> -> memref<10000x128xf32, #tpu.memory_space<vmem_shared>>
        tpu.wait_indirect_dma semaphore(%run_scoped3A_249 : memref<!tpu.dma_semaphore, #tpu.memory_space<semaphore_mem>>) src(%arg8 : memref<128x128xf32, #tpu.memory_space<vmem>>) dst(%dma_wait3A_261 : memref<10000x128xf32, #tpu.memory_space<vmem_shared>>)
        tpu.yield
      }) : () -> ()
    } else {
    }
    %barrier3A_223 = arith.constant 0 : index
    tpu.barrier barrier_id(%barrier3A_223)
    %mul3A_224 = arith.constant 624 : i32
    %mul3A_225 = arith.muli %arg1, %mul3A_224 : i32
    %mul3A_226 = arith.constant 624 : i32
    %mul3A_227 = arith.muli %arg1, %mul3A_226 : i32
    "tpu.region"() ({
      %run_scoped3A = tpu.sem_alloc : memref<!tpu.dma_semaphore, #tpu.memory_space<semaphore_mem>>
      %dma_start3A_233 = arith.constant 0 : i32
      %dma_start3A_234 = tpu.memref_slice %arg4[%arg0, %mul3A_227, %dma_start3A_233] : memref<2x10000x128xf32, #tpu.memory_space<hbm>> -> memref<1x624x128xf32, #tpu.memory_space<hbm>>
      %dma_start3A_235 = tpu.memref_squeeze %dma_start3A_234 : memref<1x624x128xf32, #tpu.memory_space<hbm>> -> memref<624x128xf32, #tpu.memory_space<hbm>>
      %dma_start3A_236 = arith.constant 0 : i32
      %dma_start3A_237 = tpu.memref_slice %arg11[%mul3A_225, %dma_start3A_236] : memref<10000x128xf32, #tpu.memory_space<vmem_shared>> -> memref<624x128xf32, #tpu.memory_space<vmem_shared>>
      tpu.enqueue_dma source(%dma_start3A_237 : memref<624x128xf32, #tpu.memory_space<vmem_shared>>) target(%dma_start3A_235 : memref<624x128xf32, #tpu.memory_space<hbm>>) target_semaphore(%run_scoped3A : memref<!tpu.dma_semaphore, #tpu.memory_space<semaphore_mem>>)
      %dma_wait3A_238 = arith.constant 0 : i32
      %dma_wait3A_239 = tpu.memref_slice %arg4[%arg0, %mul3A_227, %dma_wait3A_238] : memref<2x10000x128xf32, #tpu.memory_space<hbm>> -> memref<1x624x128xf32, #tpu.memory_space<hbm>>
      %dma_wait3A_240 = tpu.memref_squeeze %dma_wait3A_239 : memref<1x624x128xf32, #tpu.memory_space<hbm>> -> memref<624x128xf32, #tpu.memory_space<hbm>>
      %dma_wait3A_241 = arith.constant 0 : i32
      %dma_wait3A_242 = tpu.memref_slice %arg11[%mul3A_225, %dma_wait3A_241] : memref<10000x128xf32, #tpu.memory_space<vmem_shared>> -> memref<624x128xf32, #tpu.memory_space<vmem_shared>>
      tpu.wait_dma2 semaphore(%run_scoped3A : memref<!tpu.dma_semaphore, #tpu.memory_space<semaphore_mem>>) src(%dma_wait3A_242 : memref<624x128xf32, #tpu.memory_space<vmem_shared>>) dst(%dma_wait3A_240 : memref<624x128xf32, #tpu.memory_space<hbm>>)
      tpu.yield
    }) : () -> ()
    %eq3A_228 = arith.constant 15 : i32
    %eq3A_229 = arith.cmpi eq, %arg1, %eq3A_228 : i32
    %convert_element_type3A_230 = arith.extui %eq3A_229 : i1 to i32
    %cond3A_231 = arith.constant 0 : i32
    %cond3A_232 = arith.cmpi ne, %convert_element_type3A_230, %cond3A_231 : i32
    scf.if %cond3A_232 {
      "tpu.region"() ({
        %run_scoped3A = tpu.sem_alloc : memref<!tpu.dma_semaphore, #tpu.memory_space<semaphore_mem>>
        %dma_start3A_233 = arith.constant 9984 : i32
        %dma_start3A_234 = arith.constant 0 : i32
        %dma_start3A_235 = tpu.memref_slice %arg4[%arg0, %dma_start3A_233, %dma_start3A_234] : memref<2x10000x128xf32, #tpu.memory_space<hbm>> -> memref<1x16x128xf32, #tpu.memory_space<hbm>>
        %dma_start3A_236 = tpu.memref_squeeze %dma_start3A_235 : memref<1x16x128xf32, #tpu.memory_space<hbm>> -> memref<16x128xf32, #tpu.memory_space<hbm>>
        %dma_start3A_237 = arith.constant 9984 : i32
        %dma_start3A_238 = arith.constant 0 : i32
        %dma_start3A_239 = tpu.memref_slice %arg11[%dma_start3A_237, %dma_start3A_238] : memref<10000x128xf32, #tpu.memory_space<vmem_shared>> -> memref<16x128xf32, #tpu.memory_space<vmem_shared>>
        tpu.enqueue_dma source(%dma_start3A_239 : memref<16x128xf32, #tpu.memory_space<vmem_shared>>) target(%dma_start3A_236 : memref<16x128xf32, #tpu.memory_space<hbm>>) target_semaphore(%run_scoped3A : memref<!tpu.dma_semaphore, #tpu.memory_space<semaphore_mem>>)
        %dma_wait3A_240 = arith.constant 9984 : i32
        %dma_wait3A_241 = arith.constant 0 : i32
        %dma_wait3A_242 = tpu.memref_slice %arg4[%arg0, %dma_wait3A_240, %dma_wait3A_241] : memref<2x10000x128xf32, #tpu.memory_space<hbm>> -> memref<1x16x128xf32, #tpu.memory_space<hbm>>
        %dma_wait3A_243 = tpu.memref_squeeze %dma_wait3A_242 : memref<1x16x128xf32, #tpu.memory_space<hbm>> -> memref<16x128xf32, #tpu.memory_space<hbm>>
        %dma_wait3A_244 = arith.constant 9984 : i32
        %dma_wait3A_245 = arith.constant 0 : i32
        %dma_wait3A_246 = tpu.memref_slice %arg11[%dma_wait3A_244, %dma_wait3A_245] : memref<10000x128xf32, #tpu.memory_space<vmem_shared>> -> memref<16x128xf32, #tpu.memory_space<vmem_shared>>
        tpu.wait_dma2 semaphore(%run_scoped3A : memref<!tpu.dma_semaphore, #tpu.memory_space<semaphore_mem>>) src(%dma_wait3A_246 : memref<16x128xf32, #tpu.memory_space<vmem_shared>>) dst(%dma_wait3A_243 : memref<16x128xf32, #tpu.memory_space<hbm>>)
        tpu.yield
      }) : () -> ()
    } else {
    }
    return
  }
}

</mosaic_0001>

<sc_bundles>
// kernel: _sc_aggregate.3.cloned.1.call-start
scs
__scs_entry_jumppad:
0x0: {  	(pc) =	sbr.rel $0x88, $3  }
0x1: {  	(tag) =	ssettag $0x0;
	lr =	simm.s32 $0x1  }
0x2: {  	[smem:$0x3F9F] =	sst lr;
	_ =	strace $0xD0000000  }
0x3: {  	_ = 	snop  }
0x4: {  	_ = 	snop  }
0x5: {  	_ = 	snop  }
0x6: {  	_ = 	snop  }
0x7: {  	_ = 	snop  }
__scs_overlays_trampoline_lowered:
0x8: {  	[smem:$0x3FAE] =	sst s0  }
0x9: {  	[smem:$0x3FAF] =	sst s1  }
0xa: {  	[smem:$0x3FB0] =	sst s2  }
0xb: {  	[smem:$0x3FB1] =	sst s3  }
0xc: {  	[smem:$0x3FB2] =	sst s4  }
0xd: {  	[smem:$0x3FB3] =	sst s5  }
0xe: {  	[smem:$0x3FB4] =	sst s6  }
0xf: {  	[smem:$0x3FB5] =	sst s7  }
0x10: {  	[smem:$0x3FB6] =	sst s8  }
0x11: {  	[smem:$0x3FB7] =	sst s9;
	s0 =	simm.s32 @!p0 $0x0  }
0x12: {  	s1 =	sld [smem:$0x3F9D];
	s0 =	simm.s32 @p0 $0x1  }
0x13: {  	[smem:$0x3FB8] =	sst s0;
	s0 =	simm.s32 @!p1 $0x0  }
0x14: {  	s2 =	sld [smem:$0x3F9C];
	s0 =	simm.s32 @p1 $0x1  }
0x15: {  	[smem:$0x3FB9] =	sst s0;
	s0 =	simm.s32 @!p2 $0x0  }
0x16: {  	s3 =	sld [smem:$0x3FDB];
	s0 =	simm.s32 @p2 $0x1  }
0x17: {  	s4 =	simm.s32 $0x1BF5;
	[smem:$0x3FBB] =	sst s0  }
0x18: {  	s0 =	sld [smem:$0x3F9E];
	_ =	swait.ge [sflag:s4], $0x0  }
0x19: {  	s7 =	sld [smem:$0x3F9F]  }
0x1a: {  	s8 =	sadd.s32 $0xFFFFE003, lr  }
0x1b: {  	s9 =	sadd.s32 $0xFFFFFEF7, lr;
	s5 =	simm.s32 $0xFFFFFFFF;
	p2 =	slt.u32 s8, $0xFFFFF086  }
0x1c: {  	p1 =	slt.u32 s9, $0xF7A;
	s5 =	simm.s32 @!p2 $0x0  }
0x1d: {  	s5 =	simm.s32 @p1 $0x1;
	p0 =	seq.s32 s7, s2  }
0x1e: {  	s7 =	smul.u32 @!p0 $0xF7A, s2;
	p2 =	seq.s32 @!p0 s5, $0x0  }
0x1f: {  	s9 =	smul.u32 $0xF7A, s1;
	s8 =	simm.s32 @!p0 $0x1BF5;
	p2 =	por !p2, p0  }
0x20: {  	[sflag:s8] =	ssyncset.s32 @!p0 $0xFFFFF086;
	s6 =	sadd.s32 @!p0 s3, s7;
	s7 =	simm.s32 @!p0 $0x108  }
0x21: {  	s3 =	sadd.s32 s3, s9;
	s6 =	sadd.s32 @!p0 $0x88, s6;
	s7 =	simm.s32 @p2 $0x1082  }
0x22: {  	[simem:s7], [sflag:s8] =	dma.local @!p0 [hbm:s6], $0xF7A  }
0x23: {  	s9 =	sor.u32 $0xD0000000, s2;
	s6 =	simm.s32 $0x108;
	_ =	swait.ge @!p0 [sflag:s8], $0x0  }
0x24: {  	s3 =	sadd.s32 $0x88, s3;
	s6 =	simm.s32 @!p1 $0x1082;
	[sflag:s4] =	ssyncset.s32 $0xFFFFF086  }
0x25: {  	[simem:s6], [sflag:s4] =	dma.local [hbm:s3], $0xF7A  }
0x26: {  	[smem:$0x3F9F] =	sst s1;
	(tag) =	ssettag s2;
	_ =	strace s9  }
0x27: {  	s1 =	sld [smem:$0x3FAF]  }
0x28: {  	s2 =	sld [smem:$0x3FB0]  }
0x29: {  	s4 =	sld [smem:$0x3FB2]  }
0x2a: {  	p0 =	seq.s32 s5, $0x0;
	s5 =	sld [smem:$0x3FB3]  }
0x2b: {  	s6 =	sld [smem:$0x3FB4]  }
0x2c: {  	s7 =	sld [smem:$0x3FB5]  }
0x2d: {  	s3 =	simm.s32 $0x108;
	s8 =	sld [smem:$0x3FB6]  }
0x2e: {  	s3 =	simm.s32 @!p0 $0x1082;
	s9 =	sld [smem:$0x3FB7]  }
0x2f: {  	lr =	sadd.s32 s0, s3;
	s0 =	sld [smem:$0x3FAE]  }
0x30: {  	s3 =	sld [smem:$0x3FB1]  }
0x31: {  	[smem:$0x3FBA] =	sst s10  }
0x32: {  	s10 =	sld [smem:$0x3FB8];
	_ =	sdelay $0x3  }
0x33: {  	p0 =	seq.s32 s10, $0x1;
	s10 =	sld [smem:$0x3FBA];
	_ =	sdelay $0x3  }
0x34: {  	[smem:$0x3FBA] =	sst s10  }
0x35: {  	s10 =	sld [smem:$0x3FB9];
	_ =	sdelay $0x3  }
0x36: {  	p1 =	seq.s32 s10, $0x1;
	s10 =	sld [smem:$0x3FBA];
	_ =	sdelay $0x3  }
0x37: {  	[smem:$0x3FBA] =	sst s10  }
0x38: {  	s10 =	sld [smem:$0x3FBB]  }
0x39: {  	_ = 	snop;
	(pc) =	sbr.ind lr, $3  }
0x3a: {  	_ = 	snop  }
0x3b: {  	_ = 	snop  }
0x3c: {  	p2 =	seq.s32 s10, $0x1;
	s10 =	sld [smem:$0x3FBA]  }
0x3d: {  	_ =	shalt  }
0x3e: {  	_ =	shalt  }
0x3f: {  	_ =	shalt  }
0x40: {  	_ =	shalt  }
0x41: {  	_ =	shalt  }
0x42: {  	_ =	shalt  }
0x43: {  	_ =	shalt  }
0x44: {  	_ =	shalt  }
0x45: {  	_ =	shalt  }
0x46: {  	_ =	shalt  }
0x47: {  	_ =	shalt  }
0x48: {  	_ =	shalt  }
0x49: {  	_ =	shalt  }
0x4a: {  	_ =	shalt  }
0x4b: {  	_ =	shalt  }
0x4c: {  	_ =	shalt  }
0x4d: {  	_ =	shalt  }
0x4e: {  	_ =	shalt  }
0x4f: {  	_ =	shalt  }
0x50: {  	_ =	shalt  }
0x51: {  	_ =	shalt  }
0x52: {  	_ =	shalt  }
0x53: {  	_ =	shalt  }
0x54: {  	_ =	shalt  }
0x55: {  	_ =	shalt  }
0x56: {  	_ =	shalt  }
0x57: {  	_ =	shalt  }
0x58: {  	_ =	shalt  }
0x59: {  	_ =	shalt  }
0x5a: {  	_ =	shalt  }
0x5b: {  	_ =	shalt  }
0x5c: {  	_ =	shalt  }
0x5d: {  	_ =	shalt  }
0x5e: {  	_ =	shalt  }
0x5f: {  	_ =	shalt  }
0x60: {  	_ =	shalt  }
0x61: {  	_ =	shalt  }
0x62: {  	_ =	shalt  }
0x63: {  	_ =	shalt  }
0x64: {  	_ =	shalt  }
0x65: {  	_ =	shalt  }
0x66: {  	_ =	shalt  }
0x67: {  	_ =	shalt  }
0x68: {  	_ =	shalt  }
0x69: {  	_ =	shalt  }
0x6a: {  	_ =	shalt  }
0x6b: {  	_ =	shalt  }
0x6c: {  	_ =	shalt  }
0x6d: {  	_ =	shalt  }
0x6e: {  	_ =	shalt  }
0x6f: {  	_ =	shalt  }
0x70: {  	_ =	shalt  }
0x71: {  	_ =	shalt  }
0x72: {  	_ =	shalt  }
0x73: {  	_ =	shalt  }
0x74: {  	_ =	shalt  }
0x75: {  	_ =	shalt  }
0x76: {  	_ =	shalt  }
0x77: {  	_ =	shalt  }
0x78: {  	_ =	shalt  }
0x79: {  	_ =	shalt  }
0x7a: {  	_ =	shalt  }
0x7b: {  	_ =	shalt  }
0x7c: {  	_ =	shalt  }
0x7d: {  	_ =	shalt  }
0x7e: {  	_ =	shalt  }
0x7f: {  	_ =	shalt  }
0x80: {  	_ =	shalt  }
0x81: {  	_ =	shalt  }
0x82: {  	_ =	shalt  }
0x83: {  	_ =	shalt  }
0x84: {  	_ =	shalt  }
0x85: {  	_ =	shalt  }
0x86: {  	_ =	shalt  }
0x87: {  	_ =	shalt  }
.Lfunc_end0:
.L_simem_size_0:
called_computation_lowered:
.L_overlay_start_0:
0x88: {  	s2 =	sld [smem:$0x3FD9]  }
0x89: {  	s3 =	sld [smem:$0x3FFE];
	_ =	sdelay $0x1  }
0x8a: {  	s1 =	srdreg.scid  }
0x8b: {  	s0 =	sand.u32 $0x1, s1  }
0x8c: {  	s18 =	sshll.u32 s0, $0xA;
	s2 =	sadd.s32 s3, s2  }
0x8d: {  	s2 =	sadd.s32 s2, s18  }
0x8e: {  	[smem:$0x3FC6] =	sst s2  }
0x8f: {  	_ = 	snop  }
0x90: {  	s2 =	sld [smem:$0x3FC9]  }
0x91: {  	s19 =	sld [smem:$0x3FC8]  }
0x92: {  	s4 =	sld [smem:$0x3FD0];
	(tm) =	ssettm $0x1  }
0x93: {  	s5 =	sld [smem:$0x3FFB];
	_ =	sdelay $0x3  }
0x94: {  	_ =	strace s5  }
0x95: {  	s5 =	sld [smem:$0x3FFC];
	_ =	sdelay $0x3  }
0x96: {  	_ =	strace s5  }
0x97: {  	s5 =	sld [smem:$0x3FFD];
	_ =	sdelay $0x3  }
0x98: {  	_ =	strace s5  }
0x99: {  	_ =	strace $0x8FFFFFFF  }
0x9a: {  	s20 =	sld [smem:$0x3FDB];
	_ =	sdelay $0x1  }
0x9b: {  	s6 =	simm.s32 $_scs_section_size  }
0x9c: {  	s7 =	simm.s32 $_size__tile_overlayer_lowered;
	s8 =	simm.s32 $_tile_overlayer_lowered  }
0x9d: {  	s23 =	simm.s32 $0x1BFF;
	s22 =	sshll.u32 s8, $0x1;
	s5 =	sadd.s32 s6, s20  }
0x9e: {  	s9 =	simm.s32 $0x0;
	s21 =	sshll.u32 s7, $0x1;
	s7 =	sadd.s32 s22, s5  }
0x9f: {  	[timem:s9], [sflag:s23] =	dma.local [hbm:s7], s21  }
0xa0: {  	_ =	swait.ge [sflag:s23], s21  }
0xa1: {  	s6 =	ssub.s32 $0x0, s21;
	[sflag:s23] =	ssyncset.done $0x0  }
0xa2: {  	[sflag:s23] =	ssyncadd.s32 s6;
	_ =	sdelay $0x1  }
0xa3: {  	s24 =	simm.s32 $0x1B8B  }
0xa4: {  	_ =	swait.ge [sflag:s24], $0x1  }
0xa5: {  	[sflag:s24] =	ssyncset.done $0x0  }
0xa6: {  	s25 =	simm.s32 $0x1B8E;
	[sflag:s24] =	ssyncadd.s32 $0xFFFFFFFF  }
0xa7: {  	s26 =	simm.s32 $execute0_lowered;
	[smem:$0x3FD2] =	sst s25  }
0xa8: {  	s6 =	sshll.u32 s26, $0x1;
	_ =	strace $0x80000046;
	[dreg:$0x1] =	wrdreg $0xFFFFFFFF  }
0xa9: {  	s28 =	simm.s32 $_size_execute0_lowered;
	s5 =	sadd.s32 s5, s6;
	[dreg:$0x0] =	wrdreg $0x0  }
0xaa: {  	s6 =	sshll.u32 s28, $0x1;
	[dreg:$0x2] =	wrdreg s5  }
0xab: {  	[dreg:$0x3] =	wrdreg s6  }
0xac: {  	[dreg:$0x4] =	wrdreg $0xC0  }
0xad: {  	_ =	task [dreg:s9], $0x5FFFF  }
0xae: {  	[dreg:$0x1] =	wrdreg $0xFFFFFFFF  }
0xaf: {  	[dreg:$0x0] =	wrdreg $0x60  }
0xb0: {  	[dreg:$0x2] =	wrdreg s2  }
0xb1: {  	[dreg:$0x3] =	wrdreg s19  }
0xb2: {  	[dreg:$0x4] =	wrdreg s4  }
0xb3: {  	[dreg:$0x5] =	wrdreg $0xC3000  }
0xb4: {  	[dreg:$0x6] =	wrdreg $0x9  }
0xb5: {  	_ =	task.clear_ibuf [dreg:s9], $0x7FFFF;
	_ =	strace $0x90000046  }
0xb6: {  	s29 =	simm.s32 $0x9;
	_ =	strace $0x80000048  }
0xb7: {  	_ =	swait.ge [sflag:s29], $0x1  }
0xb8: {  	[sflag:s29] =	ssyncadd.s32 $0xFFFFFFFF  }
0xb9: {  	_ =	strace $0x90000048  }
0xba: {  	_ =	sfence  }
0xbb: {  	s30 =	sld [smem:$0x0];
	_ =	sdelay $0x2  }
0xbc: {  	s31 =	sshll.u32 s1, $0xD;
	s1 =	sshrl.u32 s1, $0x2  }
0xbd: {  	s3 =	sand.u32 $0x4000, s31;
	s1 =	sadd.s32 s1, s30  }
0xbe: {  	s0 =	sor.u32 s3, s0;
	s1 =	sshll.u32 s1, $0x11  }
0xbf: {  	s0 =	sor.u32 s1, s0  }
0xc0: {  	s0 =	sadd.s32 $0x8F2B, s0  }
0xc1: {  	[sflag:s0] =	ssyncadd.remote.s32 $0x1  }
0xc2: {  	_ =	sfence.sel $0xFFFF  }
0xc3: {  	[dreg:$0x0] =	wrdreg $0xFFFFFFFF;
	(pc) =	sbr.abs _section_cstart, $3  }
0xc4: {  	[dreg:$0x1] =	wrdreg $0xFFFFFFFF  }
0xc5: {  	_ =	task.clear_ibuf [dreg:s9], $0x2FFFF;
	_ =	strace $0x9FFFFFFF  }
0xc6: {  	(tm) =	ssettm $0x7FFFFFFF  }
0xc7: {  	_ =	shalt  }
tec
execute0_lowered:
.L_overlay_start_1:
0x0: {  	(tag) =	ssettag $0x1  }
0x1: {  	s0 =	rddreg [dreg:$0x0]  }
0x2: {  	s1 =	rddreg [dreg:$0x1]  }
0x3: {  	s2 =	srdreg.scid;
	s5 =	rddreg [dreg:$0x2]  }
0x4: {  	s14 =	stileid.u32;
	s3 =	rddreg [dreg:$0x3];
	s28 =	simm.s32 $0x8300  }
0x5: {  	s29 =	simm.s32 $0x1;
	s30 =	simm.s32 $0x200;
	s31 =	simm.s32 $0x2  }
0x6: {  	s2 =	sand.u32 $0x1, s2;
	s9 =	smul.u32 $0x4E000, s14;
	s23 =	sshll.u32 s14, $0x5  }
0x7: {  	s26 =	smul.u32 $0x9C0, s14;
	p0 =	sne.s32 s14, $0xF;
	s4 =	sshll.u32 s2, $0x4  }
0x8: {  	s8 =	ssub.s32 $0x2, s2;
	s21 =	smul.u32 $0x138800, s2;
	s24 =	sadd.s32 s23, s0  }
0x9: {  	s2 =	smul.u32 $0x9C00, s2;
	s23 =	simm.s32 $0x80;
	s6 =	sor.u32 s14, s4  }
0xa: {  	s4 =	simm.s32 $0x0;
	s10 =	sshrl.u32 s8, $0x1;
	s7 =	smul.u32 $0x9C0, s6  }
0xb: {  	s12 =	sshrl.u32 s9, $0x2;
	[smem:$0x7FF] =	sst s4;
	s13 =	smul.u32 $0x4E00, s6  }
0xc: {  	s8 =	ssub.s32 s8, s10;
	s10 =	sshrl.u32 s21, $0x3;
	p1 =	sgt.u32 s6, $0x3  }
0xd: {  	s6 =	simm.s32 $0x3;
	_ =	strace $0x80000047;
	s11 =	sadd.s32 s0, s7  }
0xe: {  	s7 =	sadd.s32 s12, s3;
	s9 =	sshrl.u32 s13, $0x3;
	s12 =	sadd.s32 $0x138000, s3  }
0xf: {  	s13 =	smul.u32 $0x13800, s14;
	[dreg:$0x5] =	wrdreg s11;
	s15 =	sadd.s32 $0x20, s11  }
0x10: {  	s16 =	sadd.s32 $0x4000, s7;
	s17 =	sadd.s32 $0x8000, s7;
	[dreg:$0x6] =	wrdreg s15  }
0x11: {  	s18 =	sadd.s32 $0xC000, s7;
	s19 =	sadd.s32 $0x10000, s7;
	[dreg:$0x7] =	wrdreg s16  }
0x12: {  	s9 =	sadd.s32 s0, s9;
	s0 =	sadd.s32 s2, s0;
	[dreg:$0x8] =	wrdreg s17  }
0x13: {  	s2 =	simm.s32 $0x180;
	s11 =	simm.s32 $0x0;
	[dreg:$0x9] =	wrdreg s18  }
0x14: {  	[dreg:$0xa] =	wrdreg s19;
	s20 =	sadd.s32 $0x40, s9;
	s22 =	sadd.s32 $0x60, s9  }
0x15: {  	s15 =	sadd.s32 $0x980, s9;
	s16 =	sadd.s32 $0x9A0, s9;
	s17 =	sadd.s32 $0x13800, s24  }
0x16: {  	s25 =	sadd.s32 s13, s21;
	s21 =	sadd.s32 s26, s0;
	[dreg:$0xb] =	wrdreg s20  }
0x17: {  	s24 =	simm.s32 $0x300;
	s26 =	simm.s32 $0x4300;
	[dreg:$0xc] =	wrdreg s22  }
0x18: {  	s0 =	simm.s32 $0x4;
	[dreg:$0xd] =	wrdreg s15;
	s9 =	sshrl.u32 s25, $0x3  }
0x19: {  	s20 =	smax.u32 s8, $0x1;
	s22 =	simm.s32 $0x7;
	s25 =	simm.s32 $0x100  }
0x1a: {  	s8 =	simm.s32 $0x280;
	s18 =	sadd.s32 s5, s9;
	s5 =	sadd.s32 s5, s10  }
0x1b: {  	v0 =	vimm.f32 $0.0e+00;
	s9 =	simm.s32 $0x5;
	s10 =	simm.s32 $0x6;
	s19 =	sadd.s32 $0x27000, s5  }
.LBB2_1:
0x1c: {  	s5 =	simm.s32 $0x0;
	s13 =	simm.s32 $0x200  }
.LBB2_2:
0x1d: {  	p2 =	sne.s32 s13, $0xFE00;
	[tilespmem:s5+$0x8370] =	vst v0  }
0x1e: {  	[tilespmem:s5+$0x8300] =	vst v0  }
0x1f: {  	[tilespmem:s5+$0x8310] =	vst v0  }
.Ltmp0:
0x20: {  	[tilespmem:s5+$0x8320] =	vst v0;
	(pc) =	sbr.rel @p2 .LBB2_2-.Ltmp0, $4  }
0x21: {  	[tilespmem:s5+$0x8330] =	vst v0  }
0x22: {  	[tilespmem:s5+$0x8340] =	vst v0  }
0x23: {  	[tilespmem:s5+$0x8350] =	vst v0  }
0x24: {  	[tilespmem:s5+$0x8360] =	vst v0;
	s5 =	sshra.s32 s13, $0x2;
	s13 =	sadd.s32 $0x200, s13  }
0x25: {  	[tilespmem:s5+$0x8370] =	vst v0  }
0x26: {  	[tilespmem:s5+$0x8300] =	vst v0  }
0x27: {  	[tilespmem:s5+$0x8310] =	vst v0  }
0x28: {  	[tilespmem:s5+$0x8320] =	vst v0  }
0x29: {  	[tilespmem:s5+$0x8330] =	vst v0  }
0x2a: {  	[tilespmem:s5+$0x8340] =	vst v0  }
0x2b: {  	[tilespmem:s5+$0x8350] =	vst v0  }
0x2c: {  	[tilespmem:s5+$0x8360] =	vst v0;
	s15 =	rddreg [dreg:$0x5]  }
0x2d: {  	[tilespmem:s4], [sflag:$0x7] =	stream.linear.gather [hbm4b:s15+s4], $0x100, $0x38;
	[tilespmem:$0x1FB80] =	vst v63  }
0x2e: {  	_ =	swait.ge [sflag:s22], $0x100  }
0x2f: {  	[sflag:s22] =	ssyncset.done $0x0  }
0x30: {  	[sflag:s22] =	ssyncadd.s32 $0xFFFFFF00  }
0x31: {  	[tilespmem:s24], [sflag:$0x1] =	stream.indirect.gather [hbm4b:s1+s23], $0x80, s4, s23, $0xb8;
	[tilespmem:$0x1FB80] =	vst v63  }
0x32: {  	s13 =	rddreg [dreg:$0x6]  }
0x33: {  	[tilespmem:s25], [sflag:$0x7] =	stream.linear.gather [hbm4b:s13+s4], $0x100, $0x38;
	[tilespmem:$0x1FB80] =	vst v63  }
0x34: {  	_ =	swait.ge [sflag:s22], $0x100  }
0x35: {  	[sflag:s22] =	ssyncset.done $0x0  }
0x36: {  	[sflag:s22] =	ssyncadd.s32 $0xFFFFFF00  }
0x37: {  	[tilespmem:s26], [sflag:$0x2] =	stream.indirect.gather [hbm4b:s1+s23], $0x80, s25, s23, $0xb8;
	[tilespmem:$0x1FB80] =	vst v63  }
0x38: {  	_ = 	snop  }
0x39: {  	[spmem:s7] =	stream.linear.scatter [tilespmem:s28], [sflag:$0x7], $0x4000, $0x38;
	[tilespmem:$0x1FB80] =	vst v63  }
0x3a: {  	_ =	swait.ge [sflag:s22], $0x4000  }
0x3b: {  	[sflag:s22] =	ssyncset.done $0x0  }
0x3c: {  	s14 =	rddreg [dreg:$0x7];
	[sflag:s22] =	ssyncadd.s32 $0xFFFFC000  }
0x3d: {  	[spmem:s14] =	stream.linear.scatter [tilespmem:s28], [sflag:$0x7], $0x4000, $0x38;
	[tilespmem:$0x1FB80] =	vst v63  }
0x3e: {  	_ =	swait.ge [sflag:s22], $0x4000  }
0x3f: {  	[sflag:s22] =	ssyncset.done $0x0  }
0x40: {  	s15 =	rddreg [dreg:$0x8];
	[sflag:s22] =	ssyncadd.s32 $0xFFFFC000  }
0x41: {  	[spmem:s15] =	stream.linear.scatter [tilespmem:s28], [sflag:$0x7], $0x4000, $0x38;
	[tilespmem:$0x1FB80] =	vst v63  }
0x42: {  	_ =	swait.ge [sflag:s22], $0x4000  }
0x43: {  	[sflag:s22] =	ssyncset.done $0x0  }
0x44: {  	s13 =	rddreg [dreg:$0x9];
	[sflag:s22] =	ssyncadd.s32 $0xFFFFC000  }
0x45: {  	[spmem:s13] =	stream.linear.scatter [tilespmem:s28], [sflag:$0x7], $0x4000, $0x38;
	[tilespmem:$0x1FB80] =	vst v63  }
0x46: {  	_ =	swait.ge [sflag:s22], $0x4000  }
0x47: {  	[sflag:s22] =	ssyncset.done $0x0  }
0x48: {  	s14 =	rddreg [dreg:$0xa];
	[sflag:s22] =	ssyncadd.s32 $0xFFFFC000  }
0x49: {  	[spmem:s14] =	stream.linear.scatter [tilespmem:s28], [sflag:$0x7], $0x3800, $0x38;
	[tilespmem:$0x1FB80] =	vst v63  }
0x4a: {  	_ =	swait.ge [sflag:s22], $0x3800  }
0x4b: {  	[sflag:s22] =	ssyncset.done $0x0  }
0x4c: {  	s5 =	simm.s32 @!p0 $0x8300;
	[sflag:s22] =	ssyncadd.s32 $0xFFFFC800  }
0x4d: {  	[spmem:s12] =	stream.linear.scatter @!p0 [tilespmem:s5], [sflag:$0x7], $0x800, $0x38;
	[tilespmem:$0x1FB80] =	vst v63  }
0x4e: {  	s5 =	simm.s32 @!p0 $0x7  }
0x4f: {  	_ =	swait.ge @!p0 [sflag:s5], $0x800  }
0x50: {  	[sflag:s5] =	ssyncset.done @!p0 $0x0  }
0x51: {  	[sflag:s5] =	ssyncadd.s32 @!p0 $0xFFFFF800  }
0x52: {  	[bflag:$0x0] =	sbarrier.arrive $0xFFFF  }
0x53: {  	_ =	swait.ge [sflag:s29], $0x4000  }
0x54: {  	[sflag:s29] =	ssyncset.done $0x0  }
0x55: {  	[sflag:s29] =	ssyncadd.s32 $0xFFFFC000  }
0x56: {  	[spmem:s3] =	stream.indirect.scatter.add.f32 [tilespmem:s24], [sflag:$0x4], $0x80, s23, s23, $0xb8;
	[tilespmem:$0x1FB80] =	vst v63  }
0x57: {  	s15 =	rddreg [dreg:$0xb]  }
0x58: {  	[tilespmem:s30], [sflag:$0x7] =	stream.linear.gather [hbm4b:s15+s4], $0x100, $0x38;
	[tilespmem:$0x1FB80] =	vst v63  }
0x59: {  	_ =	swait.ge [sflag:s22], $0x100  }
0x5a: {  	[sflag:s22] =	ssyncset.done $0x0  }
0x5b: {  	[sflag:s22] =	ssyncadd.s32 $0xFFFFFF00  }
0x5c: {  	[tilespmem:s28], [sflag:$0x3] =	stream.indirect.gather [hbm4b:s1+s23], $0x80, s30, s23, $0xb8;
	[tilespmem:$0x1FB80] =	vst v63  }
0x5d: {  	_ =	swait.ge [sflag:s31], $0x4000  }
0x5e: {  	[sflag:s31] =	ssyncset.done $0x0  }
0x5f: {  	[sflag:s31] =	ssyncadd.s32 $0xFFFFC000  }
0x60: {  	[spmem:s3] =	stream.indirect.scatter.add.f32 [tilespmem:s26], [sflag:$0x5], $0x80, s2, s23, $0xb8;
	[tilespmem:$0x1FB80] =	vst v63  }
0x61: {  	_ =	swait.ge [sflag:s0], $0x4000  }
0x62: {  	[sflag:s0] =	ssyncset.done $0x0  }
0x63: {  	s13 =	rddreg [dreg:$0xc];
	[sflag:s0] =	ssyncadd.s32 $0xFFFFC000  }
0x64: {  	[tilespmem:s4], [sflag:$0x7] =	stream.linear.gather [hbm4b:s13+s4], $0x100, $0x38;
	[tilespmem:$0x1FB80] =	vst v63  }
0x65: {  	_ =	swait.ge [sflag:s22], $0x100  }
0x66: {  	[sflag:s22] =	ssyncset.done $0x0  }
0x67: {  	[sflag:s22] =	ssyncadd.s32 $0xFFFFFF00  }
0x68: {  	[tilespmem:s24], [sflag:$0x1] =	stream.indirect.gather [hbm4b:s1+s23], $0x80, s4, s23, $0xb8;
	[tilespmem:$0x1FB80] =	vst v63  }
0x69: {  	_ =	swait.ge [sflag:s6], $0x4000  }
0x6a: {  	[sflag:s6] =	ssyncset.done $0x0  }
0x6b: {  	[sflag:s6] =	ssyncadd.s32 $0xFFFFC000  }
0x6c: {  	[spmem:s3] =	stream.indirect.scatter.add.f32 [tilespmem:s28], [sflag:$0x6], $0x80, s8, s23, $0xb8;
	[tilespmem:$0x1FB80] =	vst v63  }
0x6d: {  	_ =	swait.ge [sflag:s9], $0x4000  }
0x6e: {  	s14 =	sadd.s32 $0xFFFFF700, s21;
	[sflag:s9] =	ssyncset.done $0x0  }
0x6f: {  	s13 =	sadd.s32 $0x980, s14;
	[sflag:s9] =	ssyncadd.s32 $0xFFFFC000  }
0x70: {  	[tilespmem:s25], [sflag:$0x7] =	stream.linear.gather [hbm4b:s13+s4], $0x100, $0x38;
	[tilespmem:$0x1FB80] =	vst v63  }
0x71: {  	_ =	swait.ge [sflag:s22], $0x100  }
0x72: {  	[sflag:s22] =	ssyncset.done $0x0  }
0x73: {  	[sflag:s22] =	ssyncadd.s32 $0xFFFFFF00  }
0x74: {  	[tilespmem:s26], [sflag:$0x2] =	stream.indirect.gather [hbm4b:s1+s23], $0x80, s25, s23, $0xb8;
	[tilespmem:$0x1FB80] =	vst v63  }
0x75: {  	_ =	swait.ge [sflag:s29], $0x4000  }
0x76: {  	[sflag:s29] =	ssyncset.done $0x0  }
0x77: {  	[sflag:s29] =	ssyncadd.s32 $0xFFFFC000  }
0x78: {  	[spmem:s3] =	stream.indirect.scatter.add.f32 [tilespmem:s24], [sflag:$0x4], $0x80, s23, s23, $0xb8;
	[tilespmem:$0x1FB80] =	vst v63  }
0x79: {  	_ =	swait.ge [sflag:s10], $0x4000  }
0x7a: {  	[sflag:s10] =	ssyncset.done $0x0  }
0x7b: {  	s15 =	sadd.s32 $0x9A0, s14;
	[sflag:s10] =	ssyncadd.s32 $0xFFFFC000  }
0x7c: {  	[tilespmem:s30], [sflag:$0x7] =	stream.linear.gather [hbm4b:s15+s4], $0x100, $0x38;
	[tilespmem:$0x1FB80] =	vst v63  }
0x7d: {  	_ =	swait.ge [sflag:s22], $0x100  }
0x7e: {  	[sflag:s22] =	ssyncset.done $0x0  }
0x7f: {  	[sflag:s22] =	ssyncadd.s32 $0xFFFFFF00  }
0x80: {  	[tilespmem:s28], [sflag:$0x3] =	stream.indirect.gather [hbm4b:s1+s23], $0x80, s30, s23, $0xb8;
	[tilespmem:$0x1FB80] =	vst v63  }
0x81: {  	_ =	swait.ge [sflag:s31], $0x4000  }
0x82: {  	[sflag:s31] =	ssyncset.done $0x0  }
0x83: {  	[sflag:s31] =	ssyncadd.s32 $0xFFFFC000  }
0x84: {  	[spmem:s3] =	stream.indirect.scatter.add.f32 [tilespmem:s26], [sflag:$0x5], $0x80, s2, s23, $0xb8;
	[tilespmem:$0x1FB80] =	vst v63  }
0x85: {  	_ =	swait.ge [sflag:s0], $0x4000  }
0x86: {  	[sflag:s0] =	ssyncset.done $0x0  }
0x87: {  	s5 =	sadd.s32 $0x9C0, s14;
	[sflag:s0] =	ssyncadd.s32 $0xFFFFC000  }
0x88: {  	[tilespmem:s4], [sflag:$0x7] =	stream.linear.gather [hbm4b:s5+s4], $0x100, $0x38;
	[tilespmem:$0x1FB80] =	vst v63  }
0x89: {  	_ =	swait.ge [sflag:s22], $0x100  }
0x8a: {  	[sflag:s22] =	ssyncset.done $0x0  }
0x8b: {  	s5 =	simm.s32 $0xFFFFF760;
	[sflag:s22] =	ssyncadd.s32 $0xFFFFFF00  }
.LBB2_4:
0x8c: {  	[tilespmem:s24], [sflag:$0x1] =	stream.indirect.gather [hbm4b:s1+s23], $0x80, s4, s23, $0xb8;
	[tilespmem:$0x1FB80] =	vst v63  }
0x8d: {  	s13 =	smov.u32 s5  }
0x8e: {  	p2 =	sne.s32 s5, $0xFFFFFFA0;
	s5 =	sadd.s32 $0x60, s5;
	_ =	swait.ge [sflag:s6], $0x4000  }
0x8f: {  	[sflag:s6] =	ssyncset.done $0x0  }
0x90: {  	[sflag:s6] =	ssyncadd.s32 $0xFFFFC000  }
0x91: {  	[spmem:s3] =	stream.indirect.scatter.add.f32 [tilespmem:s28], [sflag:$0x6], $0x80, s8, s23, $0xb8;
	[tilespmem:$0x1FB80] =	vst v63  }
0x92: {  	_ =	swait.ge [sflag:s9], $0x4000  }
0x93: {  	s13 =	sadd.s32 s13, s21;
	[sflag:s9] =	ssyncset.done $0x0  }
0x94: {  	s14 =	sadd.s32 $0x980, s13;
	[sflag:s9] =	ssyncadd.s32 $0xFFFFC000  }
0x95: {  	[tilespmem:s25], [sflag:$0x7] =	stream.linear.gather [hbm4b:s14+s4], $0x100, $0x38;
	[tilespmem:$0x1FB80] =	vst v63  }
0x96: {  	_ =	swait.ge [sflag:s22], $0x100  }
0x97: {  	[sflag:s22] =	ssyncset.done $0x0  }
0x98: {  	[sflag:s22] =	ssyncadd.s32 $0xFFFFFF00  }
0x99: {  	[tilespmem:s26], [sflag:$0x2] =	stream.indirect.gather [hbm4b:s1+s23], $0x80, s25, s23, $0xb8;
	[tilespmem:$0x1FB80] =	vst v63  }
0x9a: {  	_ =	swait.ge [sflag:s29], $0x4000  }
0x9b: {  	[sflag:s29] =	ssyncset.done $0x0  }
0x9c: {  	[sflag:s29] =	ssyncadd.s32 $0xFFFFC000  }
0x9d: {  	[spmem:s3] =	stream.indirect.scatter.add.f32 [tilespmem:s24], [sflag:$0x4], $0x80, s23, s23, $0xb8;
	[tilespmem:$0x1FB80] =	vst v63  }
0x9e: {  	_ =	swait.ge [sflag:s10], $0x4000  }
0x9f: {  	[sflag:s10] =	ssyncset.done $0x0  }
0xa0: {  	s14 =	sadd.s32 $0x9A0, s13;
	[sflag:s10] =	ssyncadd.s32 $0xFFFFC000  }
0xa1: {  	[tilespmem:s30], [sflag:$0x7] =	stream.linear.gather [hbm4b:s14+s4], $0x100, $0x38;
	[tilespmem:$0x1FB80] =	vst v63  }
0xa2: {  	_ =	swait.ge [sflag:s22], $0x100  }
0xa3: {  	[sflag:s22] =	ssyncset.done $0x0  }
0xa4: {  	[sflag:s22] =	ssyncadd.s32 $0xFFFFFF00  }
0xa5: {  	[tilespmem:s28], [sflag:$0x3] =	stream.indirect.gather [hbm4b:s1+s23], $0x80, s30, s23, $0xb8;
	[tilespmem:$0x1FB80] =	vst v63  }
0xa6: {  	_ =	swait.ge [sflag:s31], $0x4000  }
0xa7: {  	[sflag:s31] =	ssyncset.done $0x0  }
0xa8: {  	[sflag:s31] =	ssyncadd.s32 $0xFFFFC000  }
0xa9: {  	[spmem:s3] =	stream.indirect.scatter.add.f32 [tilespmem:s26], [sflag:$0x5], $0x80, s2, s23, $0xb8;
	[tilespmem:$0x1FB80] =	vst v63  }
0xaa: {  	_ =	swait.ge [sflag:s0], $0x4000  }
0xab: {  	[sflag:s0] =	ssyncset.done $0x0  }
.Ltmp1:
0xac: {  	s13 =	sadd.s32 $0x9C0, s13;
	[sflag:s0] =	ssyncadd.s32 $0xFFFFC000;
	(pc) =	sbr.rel @p2 .LBB2_4-.Ltmp1, $4  }
0xad: {  	[tilespmem:s4], [sflag:$0x7] =	stream.linear.gather [hbm4b:s13+s4], $0x100, $0x38;
	[tilespmem:$0x1FB80] =	vst v63  }
0xae: {  	_ =	swait.ge [sflag:s22], $0x100  }
0xaf: {  	[sflag:s22] =	ssyncset.done $0x0  }
0xb0: {  	[sflag:s22] =	ssyncadd.s32 $0xFFFFFF00  }
0xb1: {  	[tilespmem:s24], [sflag:$0x1] =	stream.indirect.gather [hbm4b:s1+s23], $0x80, s4, s23, $0xb8;
	[tilespmem:$0x1FB80] =	vst v63  }
0xb2: {  	_ =	swait.ge [sflag:s6], $0x4000  }
0xb3: {  	[sflag:s6] =	ssyncset.done $0x0  }
0xb4: {  	[sflag:s6] =	ssyncadd.s32 $0xFFFFC000  }
0xb5: {  	[spmem:s3] =	stream.indirect.scatter.add.f32 [tilespmem:s28], [sflag:$0x6], $0x80, s8, s23, $0xb8;
	[tilespmem:$0x1FB80] =	vst v63  }
0xb6: {  	_ =	swait.ge [sflag:s9], $0x4000  }
0xb7: {  	[sflag:s9] =	ssyncset.done $0x0  }
0xb8: {  	s5 =	rddreg [dreg:$0xd];
	[sflag:s9] =	ssyncadd.s32 $0xFFFFC000  }
0xb9: {  	[tilespmem:s25], [sflag:$0x7] =	stream.linear.gather [hbm4b:s5+s4], $0x100, $0x38;
	[tilespmem:$0x1FB80] =	vst v63  }
0xba: {  	_ =	swait.ge [sflag:s22], $0x100  }
0xbb: {  	[sflag:s22] =	ssyncset.done $0x0  }
0xbc: {  	[sflag:s22] =	ssyncadd.s32 $0xFFFFFF00  }
0xbd: {  	[tilespmem:s26], [sflag:$0x2] =	stream.indirect.gather [hbm4b:s1+s23], $0x80, s25, s23, $0xb8;
	[tilespmem:$0x1FB80] =	vst v63  }
0xbe: {  	_ =	swait.ge [sflag:s29], $0x4000  }
0xbf: {  	[sflag:s29] =	ssyncset.done $0x0  }
0xc0: {  	[sflag:s29] =	ssyncadd.s32 $0xFFFFC000  }
0xc1: {  	[spmem:s3] =	stream.indirect.scatter.add.f32 [tilespmem:s24], [sflag:$0x4], $0x80, s23, s23, $0xb8;
	[tilespmem:$0x1FB80] =	vst v63  }
0xc2: {  	_ =	swait.ge [sflag:s10], $0x4000  }
0xc3: {  	[sflag:s10] =	ssyncset.done $0x0  }
0xc4: {  	[sflag:s10] =	ssyncadd.s32 $0xFFFFC000  }
0xc5: {  	[tilespmem:s30], [sflag:$0x7] =	stream.linear.gather [hbm4b:s16+s4], $0x100, $0x38;
	[tilespmem:$0x1FB80] =	vst v63  }
0xc6: {  	_ =	swait.ge [sflag:s22], $0x100  }
0xc7: {  	[sflag:s22] =	ssyncset.done $0x0  }
0xc8: {  	[sflag:s22] =	ssyncadd.s32 $0xFFFFFF00  }
0xc9: {  	[tilespmem:s28], [sflag:$0x3] =	stream.indirect.gather [hbm4b:s1+s23], $0x80, s30, s23, $0xb8;
	[tilespmem:$0x1FB80] =	vst v63  }
0xca: {  	_ =	swait.ge [sflag:s31], $0x4000  }
0xcb: {  	[sflag:s31] =	ssyncset.done $0x0  }
0xcc: {  	[sflag:s31] =	ssyncadd.s32 $0xFFFFC000  }
0xcd: {  	[spmem:s3] =	stream.indirect.scatter.add.f32 [tilespmem:s26], [sflag:$0x5], $0x80, s2, s23, $0xb8;
	[tilespmem:$0x1FB80] =	vst v63  }
0xce: {  	_ =	swait.ge [sflag:s0], $0x4000  }
0xcf: {  	[sflag:s0] =	ssyncset.done $0x0  }
0xd0: {  	[sflag:s0] =	ssyncadd.s32 $0xFFFFC000  }
0xd1: {  	_ =	swait.ge [sflag:s6], $0x4000  }
0xd2: {  	[sflag:s6] =	ssyncset.done $0x0  }
0xd3: {  	[sflag:s6] =	ssyncadd.s32 $0xFFFFC000  }
0xd4: {  	[spmem:s3] =	stream.indirect.scatter.add.f32 [tilespmem:s28], [sflag:$0x6], $0x80, s8, s23, $0xb8;
	[tilespmem:$0x1FB80] =	vst v63  }
0xd5: {  	_ =	swait.ge [sflag:s9], $0x4000  }
0xd6: {  	[sflag:s9] =	ssyncset.done $0x0  }
0xd7: {  	[sflag:s9] =	ssyncadd.s32 $0xFFFFC000  }
0xd8: {  	_ =	swait.ge [sflag:s10], $0x4000  }
0xd9: {  	[sflag:s10] =	ssyncset.done $0x0  }
0xda: {  	s13 =	simm.s32 @!p1 $0x7;
	s5 =	simm.s32 @!p1 $0x0;
	[sflag:s10] =	ssyncadd.s32 $0xFFFFC000  }
0xdb: {  	[tilespmem:s5], [sflag:$0x7] =	stream.linear.gather @!p1 [hbm4b:s17+s5], $0x100, $0x38;
	[tilespmem:$0x1FB80] =	vst v63  }
0xdc: {  	_ =	swait.ge @!p1 [sflag:s13], $0x100  }
0xdd: {  	[sflag:s13] =	ssyncset.done @!p1 $0x0  }
0xde: {  	s14 =	simm.s32 @!p1 $0x80;
	s15 =	simm.s32 @!p1 $0x300;
	[sflag:s13] =	ssyncadd.s32 @!p1 $0xFFFFFF00  }
0xdf: {  	[tilespmem:s15], [sflag:$0x1] =	stream.indirect.gather @!p1 [hbm4b:s1+s14], $0x80, s5, s14, $0xb8;
	[tilespmem:$0x1FB80] =	vst v63  }
0xe0: {  	s5 =	simm.s32 @!p1 $0x1  }
0xe1: {  	_ =	swait.ge @!p1 [sflag:s5], $0x4000  }
0xe2: {  	[sflag:s5] =	ssyncset.done @!p1 $0x0  }
0xe3: {  	[sflag:s5] =	ssyncadd.s32 @!p1 $0xFFFFC000  }
0xe4: {  	[spmem:s3] =	stream.indirect.scatter.add.f32 @!p1 [tilespmem:s15], [sflag:$0x7], $0x80, s14, s14, $0xb8;
	[tilespmem:$0x1FB80] =	vst v63  }
0xe5: {  	_ =	swait.ge @!p1 [sflag:s13], $0x4000  }
0xe6: {  	s14 =	stileid.u32;
	[sflag:s13] =	ssyncset.done @!p1 $0x0  }
0xe7: {  	s5 =	sshll.u32 s14, $0x6;
	[sflag:s13] =	ssyncadd.s32 @!p1 $0xFFFFC000  }
0xe8: {  	s15 =	sshrl.u32 s7, $0x3;
	s5 =	sor.u32 $0x1C07, s5;
	[bflag:$0x0] =	sbarrier.arrive $0xFFFF  }
0xe9: {  	[hbm:s18], [sflag:s5] =	dma.local [spmem:s15], $0x2700  }
0xea: {  	_ =	swait.ge [sflag:s22], $0x2700  }
0xeb: {  	s11 =	sadd.s32 $0x1, s11;
	[sflag:s22] =	ssyncset.done $0x0  }
0xec: {  	p2 =	sne.s32 s11, s20;
	s13 =	sshrl.u32 @!p0 s12, $0x3;
	[sflag:s22] =	ssyncadd.s32 $0xFFFFD900  }
0xed: {  	[hbm:s19], [sflag:s5] =	dma.local @!p0 [spmem:s13], $0x100  }
.Ltmp2:
0xee: {  	_ = 	snop;
	(pc) =	sbr.rel @p2 .LBB2_1-.Ltmp2, $4  }
0xef: {  	s5 =	simm.s32 @!p0 $0x7  }
0xf0: {  	_ =	swait.ge @!p0 [sflag:s5], $0x100  }
0xf1: {  	[sflag:s5] =	ssyncset.done @!p0 $0x0  }
0xf2: {  	[sflag:s5] =	ssyncadd.s32 @!p0 $0xFFFFFF00  }
0xf3: {  	_ =	sfence.sel $0x180000  }
0xf4: {  	[bflag:$0x0] =	sbarrier.arrive $0xFFFF  }
0xf5: {  	_ =	strace $0x90000047  }
0xf6: {  	s0 =	stileid.u32;
	[bflag:$0x2] =	sbarrier.arrive $0xFFFF  }
0xf7: {  	p0 =	sne.s32 s0, $0x0;
	s0 =	rddreg [dreg:$0x4]  }
0xf8: {  	s0 =	sadd.s32 @!p0 $0x100000, s0  }
0xf9: {  	[sflag:s0] =	ssyncadd.tile.s32 @!p0 $0x1;
	_ =	shalt  }
.Lfunc_end2:
_tile_overlayer_lowered:
.L_overlay_start_2:
0xfa: {  	(tag) =	ssettag $0x2  }
0xfb: {  	s0 =	rddreg [dreg:$0x0];
	s2 =	stileid.u32  }
0xfc: {  	s1 =	rddreg [dreg:$0x1];
	p0 =	sne.s32 s2, $0x0  }
0xfd: {  	s3 =	rddreg [dreg:$0x2];
	[bflag:$0x3] =	sbarrier.arrive $0xFFFF;
	s2 =	simm.s32 @!p0 $0x1C07  }
0xfe: {  	[timem:s3], [sflag:s2] =	dma.local @!p0 [hbm:s0], s1  }
0xff: {  	s0 =	simm.s32 @!p0 $0x7  }
0x100: {  	_ =	swait.ge @!p0 [sflag:s0], s1  }
0x101: {  	s1 =	ssub.s32 @!p0 $0x0, s1;
	[sflag:s0] =	ssyncset.done @!p0 $0x0  }
0x102: {  	[sflag:s0] =	ssyncadd.s32 @!p0 s1  }
0x103: {  	[bflag:$0x3] =	sbarrier.arrive $0xFFFF  }
0x104: {  	_ =	shalt  }

</sc_bundles>
